<compile_context>
chip_gen: v7x
topology: tpu7x:2x2x1
jax: 0.10.2.dev20260603
libtpu: 0.0.44.dev20260713+nightly
codegen_flags: <defaults>
</compile_context>

<pallas_src>
import functools

import jax
import jax.numpy as jnp
from jax import lax
from jax.experimental import pallas as pl
from jax.experimental.pallas import tpu as pltpu
from jax.experimental.pallas import tpu_sc as plsc

NUM_STEPS = 1000
BATCH = 16384
NC = 1
NS = 16
NW = NC * NS
LANES = 16
B_PER_W = BATCH // NW
HALF = B_PER_W // 2


@functools.partial(
    pl.kernel,
    mesh=plsc.VectorSubcoreMesh(core_axis_name="c", subcore_axis_name="s", num_cores=1),
    compiler_params=pltpu.CompilerParams(needs_layout_passes=False),
    out_type=(
        jax.ShapeDtypeStruct((BATCH,), jnp.float32),
        jax.ShapeDtypeStruct((BATCH,), jnp.float32),
    ),
    scratch_types=[
        pltpu.VMEM((B_PER_W,), jnp.int32),
        pltpu.VMEM((NUM_STEPS,), jnp.float32),
        pltpu.VMEM((NUM_STEPS,), jnp.float32),
        pltpu.VMEM((B_PER_W,), jnp.float32),
        pltpu.VMEM((B_PER_W,), jnp.float32),
        pltpu.SemaphoreType.DMA,
        pltpu.SemaphoreType.DMA,
        pltpu.SemaphoreType.DMA,
        pltpu.SemaphoreType.DMA,
    ],
)
def _gather_sc(t_hbm, beta_hbm, alpha_hbm, alpha_out, beta_out,
               idx_v, beta_v, alpha_v, oa_v, ob_v,
               sem_i0, sem_i1, sem_t, sem_o):
    wid = lax.axis_index("s")
    base = wid * B_PER_W
    cp_i0 = pltpu.make_async_copy(t_hbm.at[pl.ds(base, HALF)],
                                  idx_v.at[pl.ds(0, HALF)], sem_i0)
    cp_i1 = pltpu.make_async_copy(t_hbm.at[pl.ds(base + HALF, HALF)],
                                  idx_v.at[pl.ds(HALF, HALF)], sem_i1)
    cp_ta = pltpu.make_async_copy(alpha_hbm, alpha_v, sem_t)
    cp_tb = pltpu.make_async_copy(beta_hbm, beta_v, sem_t)
    cp_i0.start()
    cp_ta.start()
    cp_tb.start()
    cp_i1.start()
    cp_i0.wait()
    cp_ta.wait()
    cp_tb.wait()
    for i in range(HALF // LANES):
        sl = pl.ds(i * LANES, LANES)
        idx = idx_v[sl]
        oa_v[sl] = plsc.load_gather(alpha_v, [idx])
        ob_v[sl] = plsc.load_gather(beta_v, [idx])
    cp_oa0 = pltpu.make_async_copy(oa_v.at[pl.ds(0, HALF)],
                                   alpha_out.at[pl.ds(base, HALF)], sem_o)
    cp_ob0 = pltpu.make_async_copy(ob_v.at[pl.ds(0, HALF)],
                                   beta_out.at[pl.ds(base, HALF)], sem_o)
    cp_oa0.start()
    cp_ob0.start()
    cp_i1.wait()
    Q = HALF // 2
    for i in range(HALF // LANES, (HALF + Q) // LANES):
        sl = pl.ds(i * LANES, LANES)
        idx = idx_v[sl]
        oa_v[sl] = plsc.load_gather(alpha_v, [idx])
        ob_v[sl] = plsc.load_gather(beta_v, [idx])
    cp_oa1 = pltpu.make_async_copy(oa_v.at[pl.ds(HALF, Q)],
                                   alpha_out.at[pl.ds(base + HALF, Q)],
                                   sem_o)
    cp_ob1 = pltpu.make_async_copy(ob_v.at[pl.ds(HALF, Q)],
                                   beta_out.at[pl.ds(base + HALF, Q)],
                                   sem_o)
    cp_oa1.start()
    cp_ob1.start()
    for i in range((HALF + Q) // LANES, B_PER_W // LANES):
        sl = pl.ds(i * LANES, LANES)
        idx = idx_v[sl]
        oa_v[sl] = plsc.load_gather(alpha_v, [idx])
        ob_v[sl] = plsc.load_gather(beta_v, [idx])
    cp_oa2 = pltpu.make_async_copy(oa_v.at[pl.ds(HALF + Q, Q)],
                                   alpha_out.at[pl.ds(base + HALF + Q, Q)],
                                   sem_o)
    cp_ob2 = pltpu.make_async_copy(ob_v.at[pl.ds(HALF + Q, Q)],
                                   beta_out.at[pl.ds(base + HALF + Q, Q)],
                                   sem_o)
    cp_oa2.start()
    cp_ob2.start()
    cp_oa0.wait()
    cp_ob0.wait()
    cp_oa1.wait()
    cp_ob1.wait()
    cp_oa2.wait()
    cp_ob2.wait()


def kernel(t, beta_t, alpha_t):
    alpha_g, beta_g = _gather_sc(t.astype(jnp.int32),
                                 beta_t.astype(jnp.float32),
                                 alpha_t.astype(jnp.float32))
    return alpha_g, beta_g

# --- scband reference (transcript-rebuilt; emitter-appended) ---
"""Pipeline reference for scband-ddpm-beta-t-linear-scheduler-15118284882398 (READ-ONLY COPY).

The authoritative reference and input builder live on the scoring server;
editing this copy changes nothing except your own understanding.
"""

import jax, jax.numpy as jnp
import numpy as np

NUM_STEPS = 1000
BATCH = 16384


def setup_inputs(seed: int = 0) -> dict:
    key = jax.random.key(seed)
    k_t, = jax.random.split(key, 1)
    t = jax.random.randint(k_t, (BATCH,), 0, NUM_STEPS, dtype=jnp.int64 if jax.config.jax_enable_x64 else jnp.int32)
    # Non-trainable scheduler buffers, materialized per __init__
    beta_t = jnp.linspace(0.0001, 0.02, NUM_STEPS, dtype=jnp.float32)
    alpha_t = jnp.cumprod(1.0 - beta_t, axis=0)
    return {"t": t, "beta_t": beta_t, "alpha_t": alpha_t}


def reference(t, beta_t, alpha_t):
    # Faithful translation of DDPM_beta_t_linear_scheduler.call(t)
    alpha_gathered = jnp.take(alpha_t, t, axis=0)
    beta_gathered = jnp.take(beta_t, t, axis=0)
    return (alpha_gathered, beta_gathered)

if __name__ == "__main__":
    import jax
    _d = setup_inputs()
    print(jax.jit(kernel)(*tuple(_d.values())))

</pallas_src>

<mosaic_0001>
#map = affine_map<(d0, d1) -> (0)>
module attributes {stable_mosaic.version = 14 : i64} {
  func.func @_gather_sc(%arg0: i32, %arg1: i32, %arg2: memref<16384xi32, #tpu.memory_space<hbm>>, %arg3: memref<1000xf32, #tpu.memory_space<hbm>>, %arg4: memref<1000xf32, #tpu.memory_space<hbm>>, %arg5: memref<16384xf32, #tpu.memory_space<hbm>>, %arg6: memref<16384xf32, #tpu.memory_space<hbm>>, %arg7: memref<1024xi32, #tpu.memory_space<vmem>>, %arg8: memref<1000xf32, #tpu.memory_space<vmem>>, %arg9: memref<1000xf32, #tpu.memory_space<vmem>>, %arg10: memref<1024xf32, #tpu.memory_space<vmem>>, %arg11: memref<1024xf32, #tpu.memory_space<vmem>>, %arg12: memref<!tpu.dma_semaphore, #tpu.memory_space<semaphore_mem>>, %arg13: memref<!tpu.dma_semaphore, #tpu.memory_space<semaphore_mem>>, %arg14: memref<!tpu.dma_semaphore, #tpu.memory_space<semaphore_mem>>, %arg15: memref<!tpu.dma_semaphore, #tpu.memory_space<semaphore_mem>>) attributes {dimension_semantics = [#tpu.dimension_semantics<core_parallel>, #tpu.dimension_semantics<subcore_parallel>], iteration_bounds = array<i64: 1, 16>, scalar_prefetch = 0 : i64, scratch_operands = 9 : i64, tpu.core_type = #tpu.core_type<sc_vector_subcore>, window_params = [{transform_indices = #map}, {transform_indices = #map}, {transform_indices = #map}, {transform_indices = #map}, {transform_indices = #map}]} {
    %mul3A = arith.constant 1024 : i32
    %mul3A_0 = arith.muli %arg1, %mul3A : i32
    %add3A = arith.constant 512 : i32
    %add3A_1 = arith.addi %mul3A_0, %add3A : i32
    %dma_start3A = arith.constant 0 : i32
    %dma_start3A_2 = tpu.memref_slice %arg7[%dma_start3A] : memref<1024xi32, #tpu.memory_space<vmem>> -> memref<512xi32, #tpu.memory_space<vmem>>
    %dma_start3A_3 = tpu.memref_slice %arg2[%mul3A_0] : memref<16384xi32, #tpu.memory_space<hbm>> -> memref<512xi32, #tpu.memory_space<hbm>>
    %dma_start3A_4 = arith.constant 0 : i32
    %dma_start3A_5 = tpu.memref_slice %arg7[%dma_start3A_4] : memref<1024xi32, #tpu.memory_space<vmem>> -> memref<512xi32, #tpu.memory_space<vmem>>
    %dma_start3A_6 = tpu.memref_slice %arg2[%mul3A_0] : memref<16384xi32, #tpu.memory_space<hbm>> -> memref<512xi32, #tpu.memory_space<hbm>>
    tpu.enqueue_dma source(%dma_start3A_6 : memref<512xi32, #tpu.memory_space<hbm>>) target(%dma_start3A_5 : memref<512xi32, #tpu.memory_space<vmem>>) target_semaphore(%arg12 : memref<!tpu.dma_semaphore, #tpu.memory_space<semaphore_mem>>)
    tpu.enqueue_dma source(%arg4 : memref<1000xf32, #tpu.memory_space<hbm>>) target(%arg9 : memref<1000xf32, #tpu.memory_space<vmem>>) target_semaphore(%arg14 : memref<!tpu.dma_semaphore, #tpu.memory_space<semaphore_mem>>)
    tpu.enqueue_dma source(%arg3 : memref<1000xf32, #tpu.memory_space<hbm>>) target(%arg8 : memref<1000xf32, #tpu.memory_space<vmem>>) target_semaphore(%arg14 : memref<!tpu.dma_semaphore, #tpu.memory_space<semaphore_mem>>)
    %dma_start3A_7 = arith.constant 512 : i32
    %dma_start3A_8 = tpu.memref_slice %arg7[%dma_start3A_7] : memref<1024xi32, #tpu.memory_space<vmem>> -> memref<512xi32, #tpu.memory_space<vmem>>
    %dma_start3A_9 = tpu.memref_slice %arg2[%add3A_1] : memref<16384xi32, #tpu.memory_space<hbm>> -> memref<512xi32, #tpu.memory_space<hbm>>
    %dma_start3A_10 = arith.constant 512 : i32
    %dma_start3A_11 = tpu.memref_slice %arg7[%dma_start3A_10] : memref<1024xi32, #tpu.memory_space<vmem>> -> memref<512xi32, #tpu.memory_space<vmem>>
    %dma_start3A_12 = tpu.memref_slice %arg2[%add3A_1] : memref<16384xi32, #tpu.memory_space<hbm>> -> memref<512xi32, #tpu.memory_space<hbm>>
    tpu.enqueue_dma source(%dma_start3A_12 : memref<512xi32, #tpu.memory_space<hbm>>) target(%dma_start3A_11 : memref<512xi32, #tpu.memory_space<vmem>>) target_semaphore(%arg13 : memref<!tpu.dma_semaphore, #tpu.memory_space<semaphore_mem>>)
    %dma_wait3A = arith.constant 0 : i32
    %dma_wait3A_13 = tpu.memref_slice %arg7[%dma_wait3A] : memref<1024xi32, #tpu.memory_space<vmem>> -> memref<512xi32, #tpu.memory_space<vmem>>
    %dma_wait3A_14 = tpu.memref_slice %arg2[%mul3A_0] : memref<16384xi32, #tpu.memory_space<hbm>> -> memref<512xi32, #tpu.memory_space<hbm>>
    %dma_wait3A_15 = arith.constant 0 : i32
    %dma_wait3A_16 = tpu.memref_slice %arg7[%dma_wait3A_15] : memref<1024xi32, #tpu.memory_space<vmem>> -> memref<512xi32, #tpu.memory_space<vmem>>
    %dma_wait3A_17 = tpu.memref_slice %arg2[%mul3A_0] : memref<16384xi32, #tpu.memory_space<hbm>> -> memref<512xi32, #tpu.memory_space<hbm>>
    tpu.wait_dma2 semaphore(%arg12 : memref<!tpu.dma_semaphore, #tpu.memory_space<semaphore_mem>>) src(%dma_wait3A_17 : memref<512xi32, #tpu.memory_space<hbm>>) dst(%dma_wait3A_16 : memref<512xi32, #tpu.memory_space<vmem>>)
    tpu.wait_dma2 semaphore(%arg14 : memref<!tpu.dma_semaphore, #tpu.memory_space<semaphore_mem>>) src(%arg4 : memref<1000xf32, #tpu.memory_space<hbm>>) dst(%arg9 : memref<1000xf32, #tpu.memory_space<vmem>>)
    tpu.wait_dma2 semaphore(%arg14 : memref<!tpu.dma_semaphore, #tpu.memory_space<semaphore_mem>>) src(%arg3 : memref<1000xf32, #tpu.memory_space<hbm>>) dst(%arg8 : memref<1000xf32, #tpu.memory_space<vmem>>)
    %get3A = arith.constant 0 : index
    %get3A_18 = tpu.vector_load %arg7[%get3A] {strides = array<i32>} : memref<1024xi32, #tpu.memory_space<vmem>>, vector<16xi32>,
    %gather3A = tpu.vector_load_idx %arg9[%get3A_18] : memref<1000xf32, #tpu.memory_space<vmem>>[vector<16xi32>], vector<16xf32>,
    %swap3A = arith.constant 0 : index
    %swap3A_19 = tpu.vector_load %arg10[%swap3A] {strides = array<i32>} : memref<1024xf32, #tpu.memory_space<vmem>>, vector<16xf32>,
    tpu.vector_store %arg10[%swap3A], %gather3A {strides = array<i32>} : memref<1024xf32, #tpu.memory_space<vmem>>, vector<16xf32>,
    %gather3A_20 = tpu.vector_load_idx %arg8[%get3A_18] : memref<1000xf32, #tpu.memory_space<vmem>>[vector<16xi32>], vector<16xf32>,
    %swap3A_21 = arith.constant 0 : index
    %swap3A_22 = tpu.vector_load %arg11[%swap3A_21] {strides = array<i32>} : memref<1024xf32, #tpu.memory_space<vmem>>, vector<16xf32>,
    tpu.vector_store %arg11[%swap3A_21], %gather3A_20 {strides = array<i32>} : memref<1024xf32, #tpu.memory_space<vmem>>, vector<16xf32>,
    %get3A_23 = arith.constant 16 : index
    %get3A_24 = tpu.vector_load %arg7[%get3A_23] {strides = array<i32>} : memref<1024xi32, #tpu.memory_space<vmem>>, vector<16xi32>,
    %gather3A_25 = tpu.vector_load_idx %arg9[%get3A_24] : memref<1000xf32, #tpu.memory_space<vmem>>[vector<16xi32>], vector<16xf32>,
    %swap3A_26 = arith.constant 16 : index
    %swap3A_27 = tpu.vector_load %arg10[%swap3A_26] {strides = array<i32>} : memref<1024xf32, #tpu.memory_space<vmem>>, vector<16xf32>,
    tpu.vector_store %arg10[%swap3A_26], %gather3A_25 {strides = array<i32>} : memref<1024xf32, #tpu.memory_space<vmem>>, vector<16xf32>,
    %gather3A_28 = tpu.vector_load_idx %arg8[%get3A_24] : memref<1000xf32, #tpu.memory_space<vmem>>[vector<16xi32>], vector<16xf32>,
    %swap3A_29 = arith.constant 16 : index
    %swap3A_30 = tpu.vector_load %arg11[%swap3A_29] {strides = array<i32>} : memref<1024xf32, #tpu.memory_space<vmem>>, vector<16xf32>,
    tpu.vector_store %arg11[%swap3A_29], %gather3A_28 {strides = array<i32>} : memref<1024xf32, #tpu.memory_space<vmem>>, vector<16xf32>,
    %get3A_31 = arith.constant 32 : index
    %get3A_32 = tpu.vector_load %arg7[%get3A_31] {strides = array<i32>} : memref<1024xi32, #tpu.memory_space<vmem>>, vector<16xi32>,
    %gather3A_33 = tpu.vector_load_idx %arg9[%get3A_32] : memref<1000xf32, #tpu.memory_space<vmem>>[vector<16xi32>], vector<16xf32>,
    %swap3A_34 = arith.constant 32 : index
    %swap3A_35 = tpu.vector_load %arg10[%swap3A_34] {strides = array<i32>} : memref<1024xf32, #tpu.memory_space<vmem>>, vector<16xf32>,
    tpu.vector_store %arg10[%swap3A_34], %gather3A_33 {strides = array<i32>} : memref<1024xf32, #tpu.memory_space<vmem>>, vector<16xf32>,
    %gather3A_36 = tpu.vector_load_idx %arg8[%get3A_32] : memref<1000xf32, #tpu.memory_space<vmem>>[vector<16xi32>], vector<16xf32>,
    %swap3A_37 = arith.constant 32 : index
    %swap3A_38 = tpu.vector_load %arg11[%swap3A_37] {strides = array<i32>} : memref<1024xf32, #tpu.memory_space<vmem>>, vector<16xf32>,
    tpu.vector_store %arg11[%swap3A_37], %gather3A_36 {strides = array<i32>} : memref<1024xf32, #tpu.memory_space<vmem>>, vector<16xf32>,
    %get3A_39 = arith.constant 48 : index
    %get3A_40 = tpu.vector_load %arg7[%get3A_39] {strides = array<i32>} : memref<1024xi32, #tpu.memory_space<vmem>>, vector<16xi32>,
    %gather3A_41 = tpu.vector_load_idx %arg9[%get3A_40] : memref<1000xf32, #tpu.memory_space<vmem>>[vector<16xi32>], vector<16xf32>,
    %swap3A_42 = arith.constant 48 : index
    %swap3A_43 = tpu.vector_load %arg10[%swap3A_42] {strides = array<i32>} : memref<1024xf32, #tpu.memory_space<vmem>>, vector<16xf32>,
    tpu.vector_store %arg10[%swap3A_42], %gather3A_41 {strides = array<i32>} : memref<1024xf32, #tpu.memory_space<vmem>>, vector<16xf32>,
    %gather3A_44 = tpu.vector_load_idx %arg8[%get3A_40] : memref<1000xf32, #tpu.memory_space<vmem>>[vector<16xi32>], vector<16xf32>,
    %swap3A_45 = arith.constant 48 : index
    %swap3A_46 = tpu.vector_load %arg11[%swap3A_45] {strides = array<i32>} : memref<1024xf32, #tpu.memory_space<vmem>>, vector<16xf32>,
    tpu.vector_store %arg11[%swap3A_45], %gather3A_44 {strides = array<i32>} : memref<1024xf32, #tpu.memory_space<vmem>>, vector<16xf32>,
    %get3A_47 = arith.constant 64 : index
    %get3A_48 = tpu.vector_load %arg7[%get3A_47] {strides = array<i32>} : memref<1024xi32, #tpu.memory_space<vmem>>, vector<16xi32>,
    %gather3A_49 = tpu.vector_load_idx %arg9[%get3A_48] : memref<1000xf32, #tpu.memory_space<vmem>>[vector<16xi32>], vector<16xf32>,
    %swap3A_50 = arith.constant 64 : index
    %swap3A_51 = tpu.vector_load %arg10[%swap3A_50] {strides = array<i32>} : memref<1024xf32, #tpu.memory_space<vmem>>, vector<16xf32>,
    tpu.vector_store %arg10[%swap3A_50], %gather3A_49 {strides = array<i32>} : memref<1024xf32, #tpu.memory_space<vmem>>, vector<16xf32>,
    %gather3A_52 = tpu.vector_load_idx %arg8[%get3A_48] : memref<1000xf32, #tpu.memory_space<vmem>>[vector<16xi32>], vector<16xf32>,
    %swap3A_53 = arith.constant 64 : index
    %swap3A_54 = tpu.vector_load %arg11[%swap3A_53] {strides = array<i32>} : memref<1024xf32, #tpu.memory_space<vmem>>, vector<16xf32>,
    tpu.vector_store %arg11[%swap3A_53], %gather3A_52 {strides = array<i32>} : memref<1024xf32, #tpu.memory_space<vmem>>, vector<16xf32>,
    %get3A_55 = arith.constant 80 : index
    %get3A_56 = tpu.vector_load %arg7[%get3A_55] {strides = array<i32>} : memref<1024xi32, #tpu.memory_space<vmem>>, vector<16xi32>,
    %gather3A_57 = tpu.vector_load_idx %arg9[%get3A_56] : memref<1000xf32, #tpu.memory_space<vmem>>[vector<16xi32>], vector<16xf32>,
    %swap3A_58 = arith.constant 80 : index
    %swap3A_59 = tpu.vector_load %arg10[%swap3A_58] {strides = array<i32>} : memref<1024xf32, #tpu.memory_space<vmem>>, vector<16xf32>,
    tpu.vector_store %arg10[%swap3A_58], %gather3A_57 {strides = array<i32>} : memref<1024xf32, #tpu.memory_space<vmem>>, vector<16xf32>,
    %gather3A_60 = tpu.vector_load_idx %arg8[%get3A_56] : memref<1000xf32, #tpu.memory_space<vmem>>[vector<16xi32>], vector<16xf32>,
    %swap3A_61 = arith.constant 80 : index
    %swap3A_62 = tpu.vector_load %arg11[%swap3A_61] {strides = array<i32>} : memref<1024xf32, #tpu.memory_space<vmem>>, vector<16xf32>,
    tpu.vector_store %arg11[%swap3A_61], %gather3A_60 {strides = array<i32>} : memref<1024xf32, #tpu.memory_space<vmem>>, vector<16xf32>,
    %get3A_63 = arith.constant 96 : index
    %get3A_64 = tpu.vector_load %arg7[%get3A_63] {strides = array<i32>} : memref<1024xi32, #tpu.memory_space<vmem>>, vector<16xi32>,
    %gather3A_65 = tpu.vector_load_idx %arg9[%get3A_64] : memref<1000xf32, #tpu.memory_space<vmem>>[vector<16xi32>], vector<16xf32>,
    %swap3A_66 = arith.constant 96 : index
    %swap3A_67 = tpu.vector_load %arg10[%swap3A_66] {strides = array<i32>} : memref<1024xf32, #tpu.memory_space<vmem>>, vector<16xf32>,
    tpu.vector_store %arg10[%swap3A_66], %gather3A_65 {strides = array<i32>} : memref<1024xf32, #tpu.memory_space<vmem>>, vector<16xf32>,
    %gather3A_68 = tpu.vector_load_idx %arg8[%get3A_64] : memref<1000xf32, #tpu.memory_space<vmem>>[vector<16xi32>], vector<16xf32>,
    %swap3A_69 = arith.constant 96 : index
    %swap3A_70 = tpu.vector_load %arg11[%swap3A_69] {strides = array<i32>} : memref<1024xf32, #tpu.memory_space<vmem>>, vector<16xf32>,
    tpu.vector_store %arg11[%swap3A_69], %gather3A_68 {strides = array<i32>} : memref<1024xf32, #tpu.memory_space<vmem>>, vector<16xf32>,
    %get3A_71 = arith.constant 112 : index
    %get3A_72 = tpu.vector_load %arg7[%get3A_71] {strides = array<i32>} : memref<1024xi32, #tpu.memory_space<vmem>>, vector<16xi32>,
    %gather3A_73 = tpu.vector_load_idx %arg9[%get3A_72] : memref<1000xf32, #tpu.memory_space<vmem>>[vector<16xi32>], vector<16xf32>,
    %swap3A_74 = arith.constant 112 : index
    %swap3A_75 = tpu.vector_load %arg10[%swap3A_74] {strides = array<i32>} : memref<1024xf32, #tpu.memory_space<vmem>>, vector<16xf32>,
    tpu.vector_store %arg10[%swap3A_74], %gather3A_73 {strides = array<i32>} : memref<1024xf32, #tpu.memory_space<vmem>>, vector<16xf32>,
    %gather3A_76 = tpu.vector_load_idx %arg8[%get3A_72] : memref<1000xf32, #tpu.memory_space<vmem>>[vector<16xi32>], vector<16xf32>,
    %swap3A_77 = arith.constant 112 : index
    %swap3A_78 = tpu.vector_load %arg11[%swap3A_77] {strides = array<i32>} : memref<1024xf32, #tpu.memory_space<vmem>>, vector<16xf32>,
    tpu.vector_store %arg11[%swap3A_77], %gather3A_76 {strides = array<i32>} : memref<1024xf32, #tpu.memory_space<vmem>>, vector<16xf32>,
    %get3A_79 = arith.constant 128 : index
    %get3A_80 = tpu.vector_load %arg7[%get3A_79] {strides = array<i32>} : memref<1024xi32, #tpu.memory_space<vmem>>, vector<16xi32>,
    %gather3A_81 = tpu.vector_load_idx %arg9[%get3A_80] : memref<1000xf32, #tpu.memory_space<vmem>>[vector<16xi32>], vector<16xf32>,
    %swap3A_82 = arith.constant 128 : index
    %swap3A_83 = tpu.vector_load %arg10[%swap3A_82] {strides = array<i32>} : memref<1024xf32, #tpu.memory_space<vmem>>, vector<16xf32>,
    tpu.vector_store %arg10[%swap3A_82], %gather3A_81 {strides = array<i32>} : memref<1024xf32, #tpu.memory_space<vmem>>, vector<16xf32>,
    %gather3A_84 = tpu.vector_load_idx %arg8[%get3A_80] : memref<1000xf32, #tpu.memory_space<vmem>>[vector<16xi32>], vector<16xf32>,
    %swap3A_85 = arith.constant 128 : index
    %swap3A_86 = tpu.vector_load %arg11[%swap3A_85] {strides = array<i32>} : memref<1024xf32, #tpu.memory_space<vmem>>, vector<16xf32>,
    tpu.vector_store %arg11[%swap3A_85], %gather3A_84 {strides = array<i32>} : memref<1024xf32, #tpu.memory_space<vmem>>, vector<16xf32>,
    %get3A_87 = arith.constant 144 : index
    %get3A_88 = tpu.vector_load %arg7[%get3A_87] {strides = array<i32>} : memref<1024xi32, #tpu.memory_space<vmem>>, vector<16xi32>,
    %gather3A_89 = tpu.vector_load_idx %arg9[%get3A_88] : memref<1000xf32, #tpu.memory_space<vmem>>[vector<16xi32>], vector<16xf32>,
    %swap3A_90 = arith.constant 144 : index
    %swap3A_91 = tpu.vector_load %arg10[%swap3A_90] {strides = array<i32>} : memref<1024xf32, #tpu.memory_space<vmem>>, vector<16xf32>,
    tpu.vector_store %arg10[%swap3A_90], %gather3A_89 {strides = array<i32>} : memref<1024xf32, #tpu.memory_space<vmem>>, vector<16xf32>,
    %gather3A_92 = tpu.vector_load_idx %arg8[%get3A_88] : memref<1000xf32, #tpu.memory_space<vmem>>[vector<16xi32>], vector<16xf32>,
    %swap3A_93 = arith.constant 144 : index
    %swap3A_94 = tpu.vector_load %arg11[%swap3A_93] {strides = array<i32>} : memref<1024xf32, #tpu.memory_space<vmem>>, vector<16xf32>,
    tpu.vector_store %arg11[%swap3A_93], %gather3A_92 {strides = array<i32>} : memref<1024xf32, #tpu.memory_space<vmem>>, vector<16xf32>,
    %get3A_95 = arith.constant 160 : index
    %get3A_96 = tpu.vector_load %arg7[%get3A_95] {strides = array<i32>} : memref<1024xi32, #tpu.memory_space<vmem>>, vector<16xi32>,
    %gather3A_97 = tpu.vector_load_idx %arg9[%get3A_96] : memref<1000xf32, #tpu.memory_space<vmem>>[vector<16xi32>], vector<16xf32>,
    %swap3A_98 = arith.constant 160 : index
    %swap3A_99 = tpu.vector_load %arg10[%swap3A_98] {strides = array<i32>} : memref<1024xf32, #tpu.memory_space<vmem>>, vector<16xf32>,
    tpu.vector_store %arg10[%swap3A_98], %gather3A_97 {strides = array<i32>} : memref<1024xf32, #tpu.memory_space<vmem>>, vector<16xf32>,
    %gather3A_100 = tpu.vector_load_idx %arg8[%get3A_96] : memref<1000xf32, #tpu.memory_space<vmem>>[vector<16xi32>], vector<16xf32>,
    %swap3A_101 = arith.constant 160 : index
    %swap3A_102 = tpu.vector_load %arg11[%swap3A_101] {strides = array<i32>} : memref<1024xf32, #tpu.memory_space<vmem>>, vector<16xf32>,
    tpu.vector_store %arg11[%swap3A_101], %gather3A_100 {strides = array<i32>} : memref<1024xf32, #tpu.memory_space<vmem>>, vector<16xf32>,
    %get3A_103 = arith.constant 176 : index
    %get3A_104 = tpu.vector_load %arg7[%get3A_103] {strides = array<i32>} : memref<1024xi32, #tpu.memory_space<vmem>>, vector<16xi32>,
    %gather3A_105 = tpu.vector_load_idx %arg9[%get3A_104] : memref<1000xf32, #tpu.memory_space<vmem>>[vector<16xi32>], vector<16xf32>,
    %swap3A_106 = arith.constant 176 : index
    %swap3A_107 = tpu.vector_load %arg10[%swap3A_106] {strides = array<i32>} : memref<1024xf32, #tpu.memory_space<vmem>>, vector<16xf32>,
    tpu.vector_store %arg10[%swap3A_106], %gather3A_105 {strides = array<i32>} : memref<1024xf32, #tpu.memory_space<vmem>>, vector<16xf32>,
    %gather3A_108 = tpu.vector_load_idx %arg8[%get3A_104] : memref<1000xf32, #tpu.memory_space<vmem>>[vector<16xi32>], vector<16xf32>,
    %swap3A_109 = arith.constant 176 : index
    %swap3A_110 = tpu.vector_load %arg11[%swap3A_109] {strides = array<i32>} : memref<1024xf32, #tpu.memory_space<vmem>>, vector<16xf32>,
    tpu.vector_store %arg11[%swap3A_109], %gather3A_108 {strides = array<i32>} : memref<1024xf32, #tpu.memory_space<vmem>>, vector<16xf32>,
    %get3A_111 = arith.constant 192 : index
    %get3A_112 = tpu.vector_load %arg7[%get3A_111] {strides = array<i32>} : memref<1024xi32, #tpu.memory_space<vmem>>, vector<16xi32>,
    %gather3A_113 = tpu.vector_load_idx %arg9[%get3A_112] : memref<1000xf32, #tpu.memory_space<vmem>>[vector<16xi32>], vector<16xf32>,
    %swap3A_114 = arith.constant 192 : index
    %swap3A_115 = tpu.vector_load %arg10[%swap3A_114] {strides = array<i32>} : memref<1024xf32, #tpu.memory_space<vmem>>, vector<16xf32>,
    tpu.vector_store %arg10[%swap3A_114], %gather3A_113 {strides = array<i32>} : memref<1024xf32, #tpu.memory_space<vmem>>, vector<16xf32>,
    %gather3A_116 = tpu.vector_load_idx %arg8[%get3A_112] : memref<1000xf32, #tpu.memory_space<vmem>>[vector<16xi32>], vector<16xf32>,
    %swap3A_117 = arith.constant 192 : index
    %swap3A_118 = tpu.vector_load %arg11[%swap3A_117] {strides = array<i32>} : memref<1024xf32, #tpu.memory_space<vmem>>, vector<16xf32>,
    tpu.vector_store %arg11[%swap3A_117], %gather3A_116 {strides = array<i32>} : memref<1024xf32, #tpu.memory_space<vmem>>, vector<16xf32>,
    %get3A_119 = arith.constant 208 : index
    %get3A_120 = tpu.vector_load %arg7[%get3A_119] {strides = array<i32>} : memref<1024xi32, #tpu.memory_space<vmem>>, vector<16xi32>,
    %gather3A_121 = tpu.vector_load_idx %arg9[%get3A_120] : memref<1000xf32, #tpu.memory_space<vmem>>[vector<16xi32>], vector<16xf32>,
    %swap3A_122 = arith.constant 208 : index
    %swap3A_123 = tpu.vector_load %arg10[%swap3A_122] {strides = array<i32>} : memref<1024xf32, #tpu.memory_space<vmem>>, vector<16xf32>,
    tpu.vector_store %arg10[%swap3A_122], %gather3A_121 {strides = array<i32>} : memref<1024xf32, #tpu.memory_space<vmem>>, vector<16xf32>,
    %gather3A_124 = tpu.vector_load_idx %arg8[%get3A_120] : memref<1000xf32, #tpu.memory_space<vmem>>[vector<16xi32>], vector<16xf32>,
    %swap3A_125 = arith.constant 208 : index
    %swap3A_126 = tpu.vector_load %arg11[%swap3A_125] {strides = array<i32>} : memref<1024xf32, #tpu.memory_space<vmem>>, vector<16xf32>,
    tpu.vector_store %arg11[%swap3A_125], %gather3A_124 {strides = array<i32>} : memref<1024xf32, #tpu.memory_space<vmem>>, vector<16xf32>,
    %get3A_127 = arith.constant 224 : index
    %get3A_128 = tpu.vector_load %arg7[%get3A_127] {strides = array<i32>} : memref<1024xi32, #tpu.memory_space<vmem>>, vector<16xi32>,
    %gather3A_129 = tpu.vector_load_idx %arg9[%get3A_128] : memref<1000xf32, #tpu.memory_space<vmem>>[vector<16xi32>], vector<16xf32>,
    %swap3A_130 = arith.constant 224 : index
    %swap3A_131 = tpu.vector_load %arg10[%swap3A_130] {strides = array<i32>} : memref<1024xf32, #tpu.memory_space<vmem>>, vector<16xf32>,
    tpu.vector_store %arg10[%swap3A_130], %gather3A_129 {strides = array<i32>} : memref<1024xf32, #tpu.memory_space<vmem>>, vector<16xf32>,
    %gather3A_132 = tpu.vector_load_idx %arg8[%get3A_128] : memref<1000xf32, #tpu.memory_space<vmem>>[vector<16xi32>], vector<16xf32>,
    %swap3A_133 = arith.constant 224 : index
    %swap3A_134 = tpu.vector_load %arg11[%swap3A_133] {strides = array<i32>} : memref<1024xf32, #tpu.memory_space<vmem>>, vector<16xf32>,
    tpu.vector_store %arg11[%swap3A_133], %gather3A_132 {strides = array<i32>} : memref<1024xf32, #tpu.memory_space<vmem>>, vector<16xf32>,
    %get3A_135 = arith.constant 240 : index
    %get3A_136 = tpu.vector_load %arg7[%get3A_135] {strides = array<i32>} : memref<1024xi32, #tpu.memory_space<vmem>>, vector<16xi32>,
    %gather3A_137 = tpu.vector_load_idx %arg9[%get3A_136] : memref<1000xf32, #tpu.memory_space<vmem>>[vector<16xi32>], vector<16xf32>,
    %swap3A_138 = arith.constant 240 : index
    %swap3A_139 = tpu.vector_load %arg10[%swap3A_138] {strides = array<i32>} : memref<1024xf32, #tpu.memory_space<vmem>>, vector<16xf32>,
    tpu.vector_store %arg10[%swap3A_138], %gather3A_137 {strides = array<i32>} : memref<1024xf32, #tpu.memory_space<vmem>>, vector<16xf32>,
    %gather3A_140 = tpu.vector_load_idx %arg8[%get3A_136] : memref<1000xf32, #tpu.memory_space<vmem>>[vector<16xi32>], vector<16xf32>,
    %swap3A_141 = arith.constant 240 : index
    %swap3A_142 = tpu.vector_load %arg11[%swap3A_141] {strides = array<i32>} : memref<1024xf32, #tpu.memory_space<vmem>>, vector<16xf32>,
    tpu.vector_store %arg11[%swap3A_141], %gather3A_140 {strides = array<i32>} : memref<1024xf32, #tpu.memory_space<vmem>>, vector<16xf32>,
    %get3A_143 = arith.constant 256 : index
    %get3A_144 = tpu.vector_load %arg7[%get3A_143] {strides = array<i32>} : memref<1024xi32, #tpu.memory_space<vmem>>, vector<16xi32>,
    %gather3A_145 = tpu.vector_load_idx %arg9[%get3A_144] : memref<1000xf32, #tpu.memory_space<vmem>>[vector<16xi32>], vector<16xf32>,
    %swap3A_146 = arith.constant 256 : index
    %swap3A_147 = tpu.vector_load %arg10[%swap3A_146] {strides = array<i32>} : memref<1024xf32, #tpu.memory_space<vmem>>, vector<16xf32>,
    tpu.vector_store %arg10[%swap3A_146], %gather3A_145 {strides = array<i32>} : memref<1024xf32, #tpu.memory_space<vmem>>, vector<16xf32>,
    %gather3A_148 = tpu.vector_load_idx %arg8[%get3A_144] : memref<1000xf32, #tpu.memory_space<vmem>>[vector<16xi32>], vector<16xf32>,
    %swap3A_149 = arith.constant 256 : index
    %swap3A_150 = tpu.vector_load %arg11[%swap3A_149] {strides = array<i32>} : memref<1024xf32, #tpu.memory_space<vmem>>, vector<16xf32>,
    tpu.vector_store %arg11[%swap3A_149], %gather3A_148 {strides = array<i32>} : memref<1024xf32, #tpu.memory_space<vmem>>, vector<16xf32>,
    %get3A_151 = arith.constant 272 : index
    %get3A_152 = tpu.vector_load %arg7[%get3A_151] {strides = array<i32>} : memref<1024xi32, #tpu.memory_space<vmem>>, vector<16xi32>,
    %gather3A_153 = tpu.vector_load_idx %arg9[%get3A_152] : memref<1000xf32, #tpu.memory_space<vmem>>[vector<16xi32>], vector<16xf32>,
    %swap3A_154 = arith.constant 272 : index
    %swap3A_155 = tpu.vector_load %arg10[%swap3A_154] {strides = array<i32>} : memref<1024xf32, #tpu.memory_space<vmem>>, vector<16xf32>,
    tpu.vector_store %arg10[%swap3A_154], %gather3A_153 {strides = array<i32>} : memref<1024xf32, #tpu.memory_space<vmem>>, vector<16xf32>,
    %gather3A_156 = tpu.vector_load_idx %arg8[%get3A_152] : memref<1000xf32, #tpu.memory_space<vmem>>[vector<16xi32>], vector<16xf32>,
    %swap3A_157 = arith.constant 272 : index
    %swap3A_158 = tpu.vector_load %arg11[%swap3A_157] {strides = array<i32>} : memref<1024xf32, #tpu.memory_space<vmem>>, vector<16xf32>,
    tpu.vector_store %arg11[%swap3A_157], %gather3A_156 {strides = array<i32>} : memref<1024xf32, #tpu.memory_space<vmem>>, vector<16xf32>,
    %get3A_159 = arith.constant 288 : index
    %get3A_160 = tpu.vector_load %arg7[%get3A_159] {strides = array<i32>} : memref<1024xi32, #tpu.memory_space<vmem>>, vector<16xi32>,
    %gather3A_161 = tpu.vector_load_idx %arg9[%get3A_160] : memref<1000xf32, #tpu.memory_space<vmem>>[vector<16xi32>], vector<16xf32>,
    %swap3A_162 = arith.constant 288 : index
    %swap3A_163 = tpu.vector_load %arg10[%swap3A_162] {strides = array<i32>} : memref<1024xf32, #tpu.memory_space<vmem>>, vector<16xf32>,
    tpu.vector_store %arg10[%swap3A_162], %gather3A_161 {strides = array<i32>} : memref<1024xf32, #tpu.memory_space<vmem>>, vector<16xf32>,
    %gather3A_164 = tpu.vector_load_idx %arg8[%get3A_160] : memref<1000xf32, #tpu.memory_space<vmem>>[vector<16xi32>], vector<16xf32>,
    %swap3A_165 = arith.constant 288 : index
    %swap3A_166 = tpu.vector_load %arg11[%swap3A_165] {strides = array<i32>} : memref<1024xf32, #tpu.memory_space<vmem>>, vector<16xf32>,
    tpu.vector_store %arg11[%swap3A_165], %gather3A_164 {strides = array<i32>} : memref<1024xf32, #tpu.memory_space<vmem>>, vector<16xf32>,
    %get3A_167 = arith.constant 304 : index
    %get3A_168 = tpu.vector_load %arg7[%get3A_167] {strides = array<i32>} : memref<1024xi32, #tpu.memory_space<vmem>>, vector<16xi32>,
    %gather3A_169 = tpu.vector_load_idx %arg9[%get3A_168] : memref<1000xf32, #tpu.memory_space<vmem>>[vector<16xi32>], vector<16xf32>,
    %swap3A_170 = arith.constant 304 : index
    %swap3A_171 = tpu.vector_load %arg10[%swap3A_170] {strides = array<i32>} : memref<1024xf32, #tpu.memory_space<vmem>>, vector<16xf32>,
    tpu.vector_store %arg10[%swap3A_170], %gather3A_169 {strides = array<i32>} : memref<1024xf32, #tpu.memory_space<vmem>>, vector<16xf32>,
    %gather3A_172 = tpu.vector_load_idx %arg8[%get3A_168] : memref<1000xf32, #tpu.memory_space<vmem>>[vector<16xi32>], vector<16xf32>,
    %swap3A_173 = arith.constant 304 : index
    %swap3A_174 = tpu.vector_load %arg11[%swap3A_173] {strides = array<i32>} : memref<1024xf32, #tpu.memory_space<vmem>>, vector<16xf32>,
    tpu.vector_store %arg11[%swap3A_173], %gather3A_172 {strides = array<i32>} : memref<1024xf32, #tpu.memory_space<vmem>>, vector<16xf32>,
    %get3A_175 = arith.constant 320 : index
    %get3A_176 = tpu.vector_load %arg7[%get3A_175] {strides = array<i32>} : memref<1024xi32, #tpu.memory_space<vmem>>, vector<16xi32>,
    %gather3A_177 = tpu.vector_load_idx %arg9[%get3A_176] : memref<1000xf32, #tpu.memory_space<vmem>>[vector<16xi32>], vector<16xf32>,
    %swap3A_178 = arith.constant 320 : index
    %swap3A_179 = tpu.vector_load %arg10[%swap3A_178] {strides = array<i32>} : memref<1024xf32, #tpu.memory_space<vmem>>, vector<16xf32>,
    tpu.vector_store %arg10[%swap3A_178], %gather3A_177 {strides = array<i32>} : memref<1024xf32, #tpu.memory_space<vmem>>, vector<16xf32>,
    %gather3A_180 = tpu.vector_load_idx %arg8[%get3A_176] : memref<1000xf32, #tpu.memory_space<vmem>>[vector<16xi32>], vector<16xf32>,
    %swap3A_181 = arith.constant 320 : index
    %swap3A_182 = tpu.vector_load %arg11[%swap3A_181] {strides = array<i32>} : memref<1024xf32, #tpu.memory_space<vmem>>, vector<16xf32>,
    tpu.vector_store %arg11[%swap3A_181], %gather3A_180 {strides = array<i32>} : memref<1024xf32, #tpu.memory_space<vmem>>, vector<16xf32>,
    %get3A_183 = arith.constant 336 : index
    %get3A_184 = tpu.vector_load %arg7[%get3A_183] {strides = array<i32>} : memref<1024xi32, #tpu.memory_space<vmem>>, vector<16xi32>,
    %gather3A_185 = tpu.vector_load_idx %arg9[%get3A_184] : memref<1000xf32, #tpu.memory_space<vmem>>[vector<16xi32>], vector<16xf32>,
    %swap3A_186 = arith.constant 336 : index
    %swap3A_187 = tpu.vector_load %arg10[%swap3A_186] {strides = array<i32>} : memref<1024xf32, #tpu.memory_space<vmem>>, vector<16xf32>,
    tpu.vector_store %arg10[%swap3A_186], %gather3A_185 {strides = array<i32>} : memref<1024xf32, #tpu.memory_space<vmem>>, vector<16xf32>,
    %gather3A_188 = tpu.vector_load_idx %arg8[%get3A_184] : memref<1000xf32, #tpu.memory_space<vmem>>[vector<16xi32>], vector<16xf32>,
    %swap3A_189 = arith.constant 336 : index
    %swap3A_190 = tpu.vector_load %arg11[%swap3A_189] {strides = array<i32>} : memref<1024xf32, #tpu.memory_space<vmem>>, vector<16xf32>,
    tpu.vector_store %arg11[%swap3A_189], %gather3A_188 {strides = array<i32>} : memref<1024xf32, #tpu.memory_space<vmem>>, vector<16xf32>,
    %get3A_191 = arith.constant 352 : index
    %get3A_192 = tpu.vector_load %arg7[%get3A_191] {strides = array<i32>} : memref<1024xi32, #tpu.memory_space<vmem>>, vector<16xi32>,
    %gather3A_193 = tpu.vector_load_idx %arg9[%get3A_192] : memref<1000xf32, #tpu.memory_space<vmem>>[vector<16xi32>], vector<16xf32>,
    %swap3A_194 = arith.constant 352 : index
    %swap3A_195 = tpu.vector_load %arg10[%swap3A_194] {strides = array<i32>} : memref<1024xf32, #tpu.memory_space<vmem>>, vector<16xf32>,
    tpu.vector_store %arg10[%swap3A_194], %gather3A_193 {strides = array<i32>} : memref<1024xf32, #tpu.memory_space<vmem>>, vector<16xf32>,
    %gather3A_196 = tpu.vector_load_idx %arg8[%get3A_192] : memref<1000xf32, #tpu.memory_space<vmem>>[vector<16xi32>], vector<16xf32>,
    %swap3A_197 = arith.constant 352 : index
    %swap3A_198 = tpu.vector_load %arg11[%swap3A_197] {strides = array<i32>} : memref<1024xf32, #tpu.memory_space<vmem>>, vector<16xf32>,
    tpu.vector_store %arg11[%swap3A_197], %gather3A_196 {strides = array<i32>} : memref<1024xf32, #tpu.memory_space<vmem>>, vector<16xf32>,
    %get3A_199 = arith.constant 368 : index
    %get3A_200 = tpu.vector_load %arg7[%get3A_199] {strides = array<i32>} : memref<1024xi32, #tpu.memory_space<vmem>>, vector<16xi32>,
    %gather3A_201 = tpu.vector_load_idx %arg9[%get3A_200] : memref<1000xf32, #tpu.memory_space<vmem>>[vector<16xi32>], vector<16xf32>,
    %swap3A_202 = arith.constant 368 : index
    %swap3A_203 = tpu.vector_load %arg10[%swap3A_202] {strides = array<i32>} : memref<1024xf32, #tpu.memory_space<vmem>>, vector<16xf32>,
    tpu.vector_store %arg10[%swap3A_202], %gather3A_201 {strides = array<i32>} : memref<1024xf32, #tpu.memory_space<vmem>>, vector<16xf32>,
    %gather3A_204 = tpu.vector_load_idx %arg8[%get3A_200] : memref<1000xf32, #tpu.memory_space<vmem>>[vector<16xi32>], vector<16xf32>,
    %swap3A_205 = arith.constant 368 : index
    %swap3A_206 = tpu.vector_load %arg11[%swap3A_205] {strides = array<i32>} : memref<1024xf32, #tpu.memory_space<vmem>>, vector<16xf32>,
    tpu.vector_store %arg11[%swap3A_205], %gather3A_204 {strides = array<i32>} : memref<1024xf32, #tpu.memory_space<vmem>>, vector<16xf32>,
    %get3A_207 = arith.constant 384 : index
    %get3A_208 = tpu.vector_load %arg7[%get3A_207] {strides = array<i32>} : memref<1024xi32, #tpu.memory_space<vmem>>, vector<16xi32>,
    %gather3A_209 = tpu.vector_load_idx %arg9[%get3A_208] : memref<1000xf32, #tpu.memory_space<vmem>>[vector<16xi32>], vector<16xf32>,
    %swap3A_210 = arith.constant 384 : index
    %swap3A_211 = tpu.vector_load %arg10[%swap3A_210] {strides = array<i32>} : memref<1024xf32, #tpu.memory_space<vmem>>, vector<16xf32>,
    tpu.vector_store %arg10[%swap3A_210], %gather3A_209 {strides = array<i32>} : memref<1024xf32, #tpu.memory_space<vmem>>, vector<16xf32>,
    %gather3A_212 = tpu.vector_load_idx %arg8[%get3A_208] : memref<1000xf32, #tpu.memory_space<vmem>>[vector<16xi32>], vector<16xf32>,
    %swap3A_213 = arith.constant 384 : index
    %swap3A_214 = tpu.vector_load %arg11[%swap3A_213] {strides = array<i32>} : memref<1024xf32, #tpu.memory_space<vmem>>, vector<16xf32>,
    tpu.vector_store %arg11[%swap3A_213], %gather3A_212 {strides = array<i32>} : memref<1024xf32, #tpu.memory_space<vmem>>, vector<16xf32>,
    %get3A_215 = arith.constant 400 : index
    %get3A_216 = tpu.vector_load %arg7[%get3A_215] {strides = array<i32>} : memref<1024xi32, #tpu.memory_space<vmem>>, vector<16xi32>,
    %gather3A_217 = tpu.vector_load_idx %arg9[%get3A_216] : memref<1000xf32, #tpu.memory_space<vmem>>[vector<16xi32>], vector<16xf32>,
    %swap3A_218 = arith.constant 400 : index
    %swap3A_219 = tpu.vector_load %arg10[%swap3A_218] {strides = array<i32>} : memref<1024xf32, #tpu.memory_space<vmem>>, vector<16xf32>,
    tpu.vector_store %arg10[%swap3A_218], %gather3A_217 {strides = array<i32>} : memref<1024xf32, #tpu.memory_space<vmem>>, vector<16xf32>,
    %gather3A_220 = tpu.vector_load_idx %arg8[%get3A_216] : memref<1000xf32, #tpu.memory_space<vmem>>[vector<16xi32>], vector<16xf32>,
    %swap3A_221 = arith.constant 400 : index
    %swap3A_222 = tpu.vector_load %arg11[%swap3A_221] {strides = array<i32>} : memref<1024xf32, #tpu.memory_space<vmem>>, vector<16xf32>,
    tpu.vector_store %arg11[%swap3A_221], %gather3A_220 {strides = array<i32>} : memref<1024xf32, #tpu.memory_space<vmem>>, vector<16xf32>,
    %get3A_223 = arith.constant 416 : index
    %get3A_224 = tpu.vector_load %arg7[%get3A_223] {strides = array<i32>} : memref<1024xi32, #tpu.memory_space<vmem>>, vector<16xi32>,
    %gather3A_225 = tpu.vector_load_idx %arg9[%get3A_224] : memref<1000xf32, #tpu.memory_space<vmem>>[vector<16xi32>], vector<16xf32>,
    %swap3A_226 = arith.constant 416 : index
    %swap3A_227 = tpu.vector_load %arg10[%swap3A_226] {strides = array<i32>} : memref<1024xf32, #tpu.memory_space<vmem>>, vector<16xf32>,
    tpu.vector_store %arg10[%swap3A_226], %gather3A_225 {strides = array<i32>} : memref<1024xf32, #tpu.memory_space<vmem>>, vector<16xf32>,
    %gather3A_228 = tpu.vector_load_idx %arg8[%get3A_224] : memref<1000xf32, #tpu.memory_space<vmem>>[vector<16xi32>], vector<16xf32>,
    %swap3A_229 = arith.constant 416 : index
    %swap3A_230 = tpu.vector_load %arg11[%swap3A_229] {strides = array<i32>} : memref<1024xf32, #tpu.memory_space<vmem>>, vector<16xf32>,
    tpu.vector_store %arg11[%swap3A_229], %gather3A_228 {strides = array<i32>} : memref<1024xf32, #tpu.memory_space<vmem>>, vector<16xf32>,
    %get3A_231 = arith.constant 432 : index
    %get3A_232 = tpu.vector_load %arg7[%get3A_231] {strides = array<i32>} : memref<1024xi32, #tpu.memory_space<vmem>>, vector<16xi32>,
    %gather3A_233 = tpu.vector_load_idx %arg9[%get3A_232] : memref<1000xf32, #tpu.memory_space<vmem>>[vector<16xi32>], vector<16xf32>,
    %swap3A_234 = arith.constant 432 : index
    %swap3A_235 = tpu.vector_load %arg10[%swap3A_234] {strides = array<i32>} : memref<1024xf32, #tpu.memory_space<vmem>>, vector<16xf32>,
    tpu.vector_store %arg10[%swap3A_234], %gather3A_233 {strides = array<i32>} : memref<1024xf32, #tpu.memory_space<vmem>>, vector<16xf32>,
    %gather3A_236 = tpu.vector_load_idx %arg8[%get3A_232] : memref<1000xf32, #tpu.memory_space<vmem>>[vector<16xi32>], vector<16xf32>,
    %swap3A_237 = arith.constant 432 : index
    %swap3A_238 = tpu.vector_load %arg11[%swap3A_237] {strides = array<i32>} : memref<1024xf32, #tpu.memory_space<vmem>>, vector<16xf32>,
    tpu.vector_store %arg11[%swap3A_237], %gather3A_236 {strides = array<i32>} : memref<1024xf32, #tpu.memory_space<vmem>>, vector<16xf32>,
    %get3A_239 = arith.constant 448 : index
    %get3A_240 = tpu.vector_load %arg7[%get3A_239] {strides = array<i32>} : memref<1024xi32, #tpu.memory_space<vmem>>, vector<16xi32>,
    %gather3A_241 = tpu.vector_load_idx %arg9[%get3A_240] : memref<1000xf32, #tpu.memory_space<vmem>>[vector<16xi32>], vector<16xf32>,
    %swap3A_242 = arith.constant 448 : index
    %swap3A_243 = tpu.vector_load %arg10[%swap3A_242] {strides = array<i32>} : memref<1024xf32, #tpu.memory_space<vmem>>, vector<16xf32>,
    tpu.vector_store %arg10[%swap3A_242], %gather3A_241 {strides = array<i32>} : memref<1024xf32, #tpu.memory_space<vmem>>, vector<16xf32>,
    %gather3A_244 = tpu.vector_load_idx %arg8[%get3A_240] : memref<1000xf32, #tpu.memory_space<vmem>>[vector<16xi32>], vector<16xf32>,
    %swap3A_245 = arith.constant 448 : index
    %swap3A_246 = tpu.vector_load %arg11[%swap3A_245] {strides = array<i32>} : memref<1024xf32, #tpu.memory_space<vmem>>, vector<16xf32>,
    tpu.vector_store %arg11[%swap3A_245], %gather3A_244 {strides = array<i32>} : memref<1024xf32, #tpu.memory_space<vmem>>, vector<16xf32>,
    %get3A_247 = arith.constant 464 : index
    %get3A_248 = tpu.vector_load %arg7[%get3A_247] {strides = array<i32>} : memref<1024xi32, #tpu.memory_space<vmem>>, vector<16xi32>,
    %gather3A_249 = tpu.vector_load_idx %arg9[%get3A_248] : memref<1000xf32, #tpu.memory_space<vmem>>[vector<16xi32>], vector<16xf32>,
    %swap3A_250 = arith.constant 464 : index
    %swap3A_251 = tpu.vector_load %arg10[%swap3A_250] {strides = array<i32>} : memref<1024xf32, #tpu.memory_space<vmem>>, vector<16xf32>,
    tpu.vector_store %arg10[%swap3A_250], %gather3A_249 {strides = array<i32>} : memref<1024xf32, #tpu.memory_space<vmem>>, vector<16xf32>,
    %gather3A_252 = tpu.vector_load_idx %arg8[%get3A_248] : memref<1000xf32, #tpu.memory_space<vmem>>[vector<16xi32>], vector<16xf32>,
    %swap3A_253 = arith.constant 464 : index
    %swap3A_254 = tpu.vector_load %arg11[%swap3A_253] {strides = array<i32>} : memref<1024xf32, #tpu.memory_space<vmem>>, vector<16xf32>,
    tpu.vector_store %arg11[%swap3A_253], %gather3A_252 {strides = array<i32>} : memref<1024xf32, #tpu.memory_space<vmem>>, vector<16xf32>,
    %get3A_255 = arith.constant 480 : index
    %get3A_256 = tpu.vector_load %arg7[%get3A_255] {strides = array<i32>} : memref<1024xi32, #tpu.memory_space<vmem>>, vector<16xi32>,
    %gather3A_257 = tpu.vector_load_idx %arg9[%get3A_256] : memref<1000xf32, #tpu.memory_space<vmem>>[vector<16xi32>], vector<16xf32>,
    %swap3A_258 = arith.constant 480 : index
    %swap3A_259 = tpu.vector_load %arg10[%swap3A_258] {strides = array<i32>} : memref<1024xf32, #tpu.memory_space<vmem>>, vector<16xf32>,
    tpu.vector_store %arg10[%swap3A_258], %gather3A_257 {strides = array<i32>} : memref<1024xf32, #tpu.memory_space<vmem>>, vector<16xf32>,
    %gather3A_260 = tpu.vector_load_idx %arg8[%get3A_256] : memref<1000xf32, #tpu.memory_space<vmem>>[vector<16xi32>], vector<16xf32>,
    %swap3A_261 = arith.constant 480 : index
    %swap3A_262 = tpu.vector_load %arg11[%swap3A_261] {strides = array<i32>} : memref<1024xf32, #tpu.memory_space<vmem>>, vector<16xf32>,
    tpu.vector_store %arg11[%swap3A_261], %gather3A_260 {strides = array<i32>} : memref<1024xf32, #tpu.memory_space<vmem>>, vector<16xf32>,
    %get3A_263 = arith.constant 496 : index
    %get3A_264 = tpu.vector_load %arg7[%get3A_263] {strides = array<i32>} : memref<1024xi32, #tpu.memory_space<vmem>>, vector<16xi32>,
    %gather3A_265 = tpu.vector_load_idx %arg9[%get3A_264] : memref<1000xf32, #tpu.memory_space<vmem>>[vector<16xi32>], vector<16xf32>,
    %swap3A_266 = arith.constant 496 : index
    %swap3A_267 = tpu.vector_load %arg10[%swap3A_266] {strides = array<i32>} : memref<1024xf32, #tpu.memory_space<vmem>>, vector<16xf32>,
    tpu.vector_store %arg10[%swap3A_266], %gather3A_265 {strides = array<i32>} : memref<1024xf32, #tpu.memory_space<vmem>>, vector<16xf32>,
    %gather3A_268 = tpu.vector_load_idx %arg8[%get3A_264] : memref<1000xf32, #tpu.memory_space<vmem>>[vector<16xi32>], vector<16xf32>,
    %swap3A_269 = arith.constant 496 : index
    %swap3A_270 = tpu.vector_load %arg11[%swap3A_269] {strides = array<i32>} : memref<1024xf32, #tpu.memory_space<vmem>>, vector<16xf32>,
    tpu.vector_store %arg11[%swap3A_269], %gather3A_268 {strides = array<i32>} : memref<1024xf32, #tpu.memory_space<vmem>>, vector<16xf32>,
    %dma_start3A_271 = arith.constant 0 : i32
    %dma_start3A_272 = tpu.memref_slice %arg10[%dma_start3A_271] : memref<1024xf32, #tpu.memory_space<vmem>> -> memref<512xf32, #tpu.memory_space<vmem>>
    %dma_start3A_273 = tpu.memref_slice %arg5[%mul3A_0] : memref<16384xf32, #tpu.memory_space<hbm>> -> memref<512xf32, #tpu.memory_space<hbm>>
    %dma_start3A_274 = tpu.memref_slice %arg5[%mul3A_0] : memref<16384xf32, #tpu.memory_space<hbm>> -> memref<512xf32, #tpu.memory_space<hbm>>
    %dma_start3A_275 = arith.constant 0 : i32
    %dma_start3A_276 = tpu.memref_slice %arg10[%dma_start3A_275] : memref<1024xf32, #tpu.memory_space<vmem>> -> memref<512xf32, #tpu.memory_space<vmem>>
    tpu.enqueue_dma source(%dma_start3A_276 : memref<512xf32, #tpu.memory_space<vmem>>) target(%dma_start3A_274 : memref<512xf32, #tpu.memory_space<hbm>>) target_semaphore(%arg15 : memref<!tpu.dma_semaphore, #tpu.memory_space<semaphore_mem>>)
    %dma_start3A_277 = arith.constant 0 : i32
    %dma_start3A_278 = tpu.memref_slice %arg11[%dma_start3A_277] : memref<1024xf32, #tpu.memory_space<vmem>> -> memref<512xf32, #tpu.memory_space<vmem>>
    %dma_start3A_279 = tpu.memref_slice %arg6[%mul3A_0] : memref<16384xf32, #tpu.memory_space<hbm>> -> memref<512xf32, #tpu.memory_space<hbm>>
    %dma_start3A_280 = tpu.memref_slice %arg6[%mul3A_0] : memref<16384xf32, #tpu.memory_space<hbm>> -> memref<512xf32, #tpu.memory_space<hbm>>
    %dma_start3A_281 = arith.constant 0 : i32
    %dma_start3A_282 = tpu.memref_slice %arg11[%dma_start3A_281] : memref<1024xf32, #tpu.memory_space<vmem>> -> memref<512xf32, #tpu.memory_space<vmem>>
    tpu.enqueue_dma source(%dma_start3A_282 : memref<512xf32, #tpu.memory_space<vmem>>) target(%dma_start3A_280 : memref<512xf32, #tpu.memory_space<hbm>>) target_semaphore(%arg15 : memref<!tpu.dma_semaphore, #tpu.memory_space<semaphore_mem>>)
    %dma_wait3A_283 = arith.constant 512 : i32
    %dma_wait3A_284 = tpu.memref_slice %arg7[%dma_wait3A_283] : memref<1024xi32, #tpu.memory_space<vmem>> -> memref<512xi32, #tpu.memory_space<vmem>>
    %dma_wait3A_285 = tpu.memref_slice %arg2[%add3A_1] : memref<16384xi32, #tpu.memory_space<hbm>> -> memref<512xi32, #tpu.memory_space<hbm>>
    %dma_wait3A_286 = arith.constant 512 : i32
    %dma_wait3A_287 = tpu.memref_slice %arg7[%dma_wait3A_286] : memref<1024xi32, #tpu.memory_space<vmem>> -> memref<512xi32, #tpu.memory_space<vmem>>
    %dma_wait3A_288 = tpu.memref_slice %arg2[%add3A_1] : memref<16384xi32, #tpu.memory_space<hbm>> -> memref<512xi32, #tpu.memory_space<hbm>>
    tpu.wait_dma2 semaphore(%arg13 : memref<!tpu.dma_semaphore, #tpu.memory_space<semaphore_mem>>) src(%dma_wait3A_288 : memref<512xi32, #tpu.memory_space<hbm>>) dst(%dma_wait3A_287 : memref<512xi32, #tpu.memory_space<vmem>>)
    %get3A_289 = arith.constant 512 : index
    %get3A_290 = tpu.vector_load %arg7[%get3A_289] {strides = array<i32>} : memref<1024xi32, #tpu.memory_space<vmem>>, vector<16xi32>,
    %gather3A_291 = tpu.vector_load_idx %arg9[%get3A_290] : memref<1000xf32, #tpu.memory_space<vmem>>[vector<16xi32>], vector<16xf32>,
    %swap3A_292 = arith.constant 512 : index
    %swap3A_293 = tpu.vector_load %arg10[%swap3A_292] {strides = array<i32>} : memref<1024xf32, #tpu.memory_space<vmem>>, vector<16xf32>,
    tpu.vector_store %arg10[%swap3A_292], %gather3A_291 {strides = array<i32>} : memref<1024xf32, #tpu.memory_space<vmem>>, vector<16xf32>,
    %gather3A_294 = tpu.vector_load_idx %arg8[%get3A_290] : memref<1000xf32, #tpu.memory_space<vmem>>[vector<16xi32>], vector<16xf32>,
    %swap3A_295 = arith.constant 512 : index
    %swap3A_296 = tpu.vector_load %arg11[%swap3A_295] {strides = array<i32>} : memref<1024xf32, #tpu.memory_space<vmem>>, vector<16xf32>,
    tpu.vector_store %arg11[%swap3A_295], %gather3A_294 {strides = array<i32>} : memref<1024xf32, #tpu.memory_space<vmem>>, vector<16xf32>,
    %get3A_297 = arith.constant 528 : index
    %get3A_298 = tpu.vector_load %arg7[%get3A_297] {strides = array<i32>} : memref<1024xi32, #tpu.memory_space<vmem>>, vector<16xi32>,
    %gather3A_299 = tpu.vector_load_idx %arg9[%get3A_298] : memref<1000xf32, #tpu.memory_space<vmem>>[vector<16xi32>], vector<16xf32>,
    %swap3A_300 = arith.constant 528 : index
    %swap3A_301 = tpu.vector_load %arg10[%swap3A_300] {strides = array<i32>} : memref<1024xf32, #tpu.memory_space<vmem>>, vector<16xf32>,
    tpu.vector_store %arg10[%swap3A_300], %gather3A_299 {strides = array<i32>} : memref<1024xf32, #tpu.memory_space<vmem>>, vector<16xf32>,
    %gather3A_302 = tpu.vector_load_idx %arg8[%get3A_298] : memref<1000xf32, #tpu.memory_space<vmem>>[vector<16xi32>], vector<16xf32>,
    %swap3A_303 = arith.constant 528 : index
    %swap3A_304 = tpu.vector_load %arg11[%swap3A_303] {strides = array<i32>} : memref<1024xf32, #tpu.memory_space<vmem>>, vector<16xf32>,
    tpu.vector_store %arg11[%swap3A_303], %gather3A_302 {strides = array<i32>} : memref<1024xf32, #tpu.memory_space<vmem>>, vector<16xf32>,
    %get3A_305 = arith.constant 544 : index
    %get3A_306 = tpu.vector_load %arg7[%get3A_305] {strides = array<i32>} : memref<1024xi32, #tpu.memory_space<vmem>>, vector<16xi32>,
    %gather3A_307 = tpu.vector_load_idx %arg9[%get3A_306] : memref<1000xf32, #tpu.memory_space<vmem>>[vector<16xi32>], vector<16xf32>,
    %swap3A_308 = arith.constant 544 : index
    %swap3A_309 = tpu.vector_load %arg10[%swap3A_308] {strides = array<i32>} : memref<1024xf32, #tpu.memory_space<vmem>>, vector<16xf32>,
    tpu.vector_store %arg10[%swap3A_308], %gather3A_307 {strides = array<i32>} : memref<1024xf32, #tpu.memory_space<vmem>>, vector<16xf32>,
    %gather3A_310 = tpu.vector_load_idx %arg8[%get3A_306] : memref<1000xf32, #tpu.memory_space<vmem>>[vector<16xi32>], vector<16xf32>,
    %swap3A_311 = arith.constant 544 : index
    %swap3A_312 = tpu.vector_load %arg11[%swap3A_311] {strides = array<i32>} : memref<1024xf32, #tpu.memory_space<vmem>>, vector<16xf32>,
    tpu.vector_store %arg11[%swap3A_311], %gather3A_310 {strides = array<i32>} : memref<1024xf32, #tpu.memory_space<vmem>>, vector<16xf32>,
    %get3A_313 = arith.constant 560 : index
    %get3A_314 = tpu.vector_load %arg7[%get3A_313] {strides = array<i32>} : memref<1024xi32, #tpu.memory_space<vmem>>, vector<16xi32>,
    %gather3A_315 = tpu.vector_load_idx %arg9[%get3A_314] : memref<1000xf32, #tpu.memory_space<vmem>>[vector<16xi32>], vector<16xf32>,
    %swap3A_316 = arith.constant 560 : index
    %swap3A_317 = tpu.vector_load %arg10[%swap3A_316] {strides = array<i32>} : memref<1024xf32, #tpu.memory_space<vmem>>, vector<16xf32>,
    tpu.vector_store %arg10[%swap3A_316], %gather3A_315 {strides = array<i32>} : memref<1024xf32, #tpu.memory_space<vmem>>, vector<16xf32>,
    %gather3A_318 = tpu.vector_load_idx %arg8[%get3A_314] : memref<1000xf32, #tpu.memory_space<vmem>>[vector<16xi32>], vector<16xf32>,
    %swap3A_319 = arith.constant 560 : index
    %swap3A_320 = tpu.vector_load %arg11[%swap3A_319] {strides = array<i32>} : memref<1024xf32, #tpu.memory_space<vmem>>, vector<16xf32>,
    tpu.vector_store %arg11[%swap3A_319], %gather3A_318 {strides = array<i32>} : memref<1024xf32, #tpu.memory_space<vmem>>, vector<16xf32>,
    %get3A_321 = arith.constant 576 : index
    %get3A_322 = tpu.vector_load %arg7[%get3A_321] {strides = array<i32>} : memref<1024xi32, #tpu.memory_space<vmem>>, vector<16xi32>,
    %gather3A_323 = tpu.vector_load_idx %arg9[%get3A_322] : memref<1000xf32, #tpu.memory_space<vmem>>[vector<16xi32>], vector<16xf32>,
    %swap3A_324 = arith.constant 576 : index
    %swap3A_325 = tpu.vector_load %arg10[%swap3A_324] {strides = array<i32>} : memref<1024xf32, #tpu.memory_space<vmem>>, vector<16xf32>,
    tpu.vector_store %arg10[%swap3A_324], %gather3A_323 {strides = array<i32>} : memref<1024xf32, #tpu.memory_space<vmem>>, vector<16xf32>,
    %gather3A_326 = tpu.vector_load_idx %arg8[%get3A_322] : memref<1000xf32, #tpu.memory_space<vmem>>[vector<16xi32>], vector<16xf32>,
    %swap3A_327 = arith.constant 576 : index
    %swap3A_328 = tpu.vector_load %arg11[%swap3A_327] {strides = array<i32>} : memref<1024xf32, #tpu.memory_space<vmem>>, vector<16xf32>,
    tpu.vector_store %arg11[%swap3A_327], %gather3A_326 {strides = array<i32>} : memref<1024xf32, #tpu.memory_space<vmem>>, vector<16xf32>,
    %get3A_329 = arith.constant 592 : index
    %get3A_330 = tpu.vector_load %arg7[%get3A_329] {strides = array<i32>} : memref<1024xi32, #tpu.memory_space<vmem>>, vector<16xi32>,
    %gather3A_331 = tpu.vector_load_idx %arg9[%get3A_330] : memref<1000xf32, #tpu.memory_space<vmem>>[vector<16xi32>], vector<16xf32>,
    %swap3A_332 = arith.constant 592 : index
    %swap3A_333 = tpu.vector_load %arg10[%swap3A_332] {strides = array<i32>} : memref<1024xf32, #tpu.memory_space<vmem>>, vector<16xf32>,
    tpu.vector_store %arg10[%swap3A_332], %gather3A_331 {strides = array<i32>} : memref<1024xf32, #tpu.memory_space<vmem>>, vector<16xf32>,
    %gather3A_334 = tpu.vector_load_idx %arg8[%get3A_330] : memref<1000xf32, #tpu.memory_space<vmem>>[vector<16xi32>], vector<16xf32>,
    %swap3A_335 = arith.constant 592 : index
    %swap3A_336 = tpu.vector_load %arg11[%swap3A_335] {strides = array<i32>} : memref<1024xf32, #tpu.memory_space<vmem>>, vector<16xf32>,
    tpu.vector_store %arg11[%swap3A_335], %gather3A_334 {strides = array<i32>} : memref<1024xf32, #tpu.memory_space<vmem>>, vector<16xf32>,
    %get3A_337 = arith.constant 608 : index
    %get3A_338 = tpu.vector_load %arg7[%get3A_337] {strides = array<i32>} : memref<1024xi32, #tpu.memory_space<vmem>>, vector<16xi32>,
    %gather3A_339 = tpu.vector_load_idx %arg9[%get3A_338] : memref<1000xf32, #tpu.memory_space<vmem>>[vector<16xi32>], vector<16xf32>,
    %swap3A_340 = arith.constant 608 : index
    %swap3A_341 = tpu.vector_load %arg10[%swap3A_340] {strides = array<i32>} : memref<1024xf32, #tpu.memory_space<vmem>>, vector<16xf32>,
    tpu.vector_store %arg10[%swap3A_340], %gather3A_339 {strides = array<i32>} : memref<1024xf32, #tpu.memory_space<vmem>>, vector<16xf32>,
    %gather3A_342 = tpu.vector_load_idx %arg8[%get3A_338] : memref<1000xf32, #tpu.memory_space<vmem>>[vector<16xi32>], vector<16xf32>,
    %swap3A_343 = arith.constant 608 : index
    %swap3A_344 = tpu.vector_load %arg11[%swap3A_343] {strides = array<i32>} : memref<1024xf32, #tpu.memory_space<vmem>>, vector<16xf32>,
    tpu.vector_store %arg11[%swap3A_343], %gather3A_342 {strides = array<i32>} : memref<1024xf32, #tpu.memory_space<vmem>>, vector<16xf32>,
    %get3A_345 = arith.constant 624 : index
    %get3A_346 = tpu.vector_load %arg7[%get3A_345] {strides = array<i32>} : memref<1024xi32, #tpu.memory_space<vmem>>, vector<16xi32>,
    %gather3A_347 = tpu.vector_load_idx %arg9[%get3A_346] : memref<1000xf32, #tpu.memory_space<vmem>>[vector<16xi32>], vector<16xf32>,
    %swap3A_348 = arith.constant 624 : index
    %swap3A_349 = tpu.vector_load %arg10[%swap3A_348] {strides = array<i32>} : memref<1024xf32, #tpu.memory_space<vmem>>, vector<16xf32>,
    tpu.vector_store %arg10[%swap3A_348], %gather3A_347 {strides = array<i32>} : memref<1024xf32, #tpu.memory_space<vmem>>, vector<16xf32>,
    %gather3A_350 = tpu.vector_load_idx %arg8[%get3A_346] : memref<1000xf32, #tpu.memory_space<vmem>>[vector<16xi32>], vector<16xf32>,
    %swap3A_351 = arith.constant 624 : index
    %swap3A_352 = tpu.vector_load %arg11[%swap3A_351] {strides = array<i32>} : memref<1024xf32, #tpu.memory_space<vmem>>, vector<16xf32>,
    tpu.vector_store %arg11[%swap3A_351], %gather3A_350 {strides = array<i32>} : memref<1024xf32, #tpu.memory_space<vmem>>, vector<16xf32>,
    %get3A_353 = arith.constant 640 : index
    %get3A_354 = tpu.vector_load %arg7[%get3A_353] {strides = array<i32>} : memref<1024xi32, #tpu.memory_space<vmem>>, vector<16xi32>,
    %gather3A_355 = tpu.vector_load_idx %arg9[%get3A_354] : memref<1000xf32, #tpu.memory_space<vmem>>[vector<16xi32>], vector<16xf32>,
    %swap3A_356 = arith.constant 640 : index
    %swap3A_357 = tpu.vector_load %arg10[%swap3A_356] {strides = array<i32>} : memref<1024xf32, #tpu.memory_space<vmem>>, vector<16xf32>,
    tpu.vector_store %arg10[%swap3A_356], %gather3A_355 {strides = array<i32>} : memref<1024xf32, #tpu.memory_space<vmem>>, vector<16xf32>,
    %gather3A_358 = tpu.vector_load_idx %arg8[%get3A_354] : memref<1000xf32, #tpu.memory_space<vmem>>[vector<16xi32>], vector<16xf32>,
    %swap3A_359 = arith.constant 640 : index
    %swap3A_360 = tpu.vector_load %arg11[%swap3A_359] {strides = array<i32>} : memref<1024xf32, #tpu.memory_space<vmem>>, vector<16xf32>,
    tpu.vector_store %arg11[%swap3A_359], %gather3A_358 {strides = array<i32>} : memref<1024xf32, #tpu.memory_space<vmem>>, vector<16xf32>,
    %get3A_361 = arith.constant 656 : index
    %get3A_362 = tpu.vector_load %arg7[%get3A_361] {strides = array<i32>} : memref<1024xi32, #tpu.memory_space<vmem>>, vector<16xi32>,
    %gather3A_363 = tpu.vector_load_idx %arg9[%get3A_362] : memref<1000xf32, #tpu.memory_space<vmem>>[vector<16xi32>], vector<16xf32>,
    %swap3A_364 = arith.constant 656 : index
    %swap3A_365 = tpu.vector_load %arg10[%swap3A_364] {strides = array<i32>} : memref<1024xf32, #tpu.memory_space<vmem>>, vector<16xf32>,
    tpu.vector_store %arg10[%swap3A_364], %gather3A_363 {strides = array<i32>} : memref<1024xf32, #tpu.memory_space<vmem>>, vector<16xf32>,
    %gather3A_366 = tpu.vector_load_idx %arg8[%get3A_362] : memref<1000xf32, #tpu.memory_space<vmem>>[vector<16xi32>], vector<16xf32>,
    %swap3A_367 = arith.constant 656 : index
    %swap3A_368 = tpu.vector_load %arg11[%swap3A_367] {strides = array<i32>} : memref<1024xf32, #tpu.memory_space<vmem>>, vector<16xf32>,
    tpu.vector_store %arg11[%swap3A_367], %gather3A_366 {strides = array<i32>} : memref<1024xf32, #tpu.memory_space<vmem>>, vector<16xf32>,
    %get3A_369 = arith.constant 672 : index
    %get3A_370 = tpu.vector_load %arg7[%get3A_369] {strides = array<i32>} : memref<1024xi32, #tpu.memory_space<vmem>>, vector<16xi32>,
    %gather3A_371 = tpu.vector_load_idx %arg9[%get3A_370] : memref<1000xf32, #tpu.memory_space<vmem>>[vector<16xi32>], vector<16xf32>,
    %swap3A_372 = arith.constant 672 : index
    %swap3A_373 = tpu.vector_load %arg10[%swap3A_372] {strides = array<i32>} : memref<1024xf32, #tpu.memory_space<vmem>>, vector<16xf32>,
    tpu.vector_store %arg10[%swap3A_372], %gather3A_371 {strides = array<i32>} : memref<1024xf32, #tpu.memory_space<vmem>>, vector<16xf32>,
    %gather3A_374 = tpu.vector_load_idx %arg8[%get3A_370] : memref<1000xf32, #tpu.memory_space<vmem>>[vector<16xi32>], vector<16xf32>,
    %swap3A_375 = arith.constant 672 : index
    %swap3A_376 = tpu.vector_load %arg11[%swap3A_375] {strides = array<i32>} : memref<1024xf32, #tpu.memory_space<vmem>>, vector<16xf32>,
    tpu.vector_store %arg11[%swap3A_375], %gather3A_374 {strides = array<i32>} : memref<1024xf32, #tpu.memory_space<vmem>>, vector<16xf32>,
    %get3A_377 = arith.constant 688 : index
    %get3A_378 = tpu.vector_load %arg7[%get3A_377] {strides = array<i32>} : memref<1024xi32, #tpu.memory_space<vmem>>, vector<16xi32>,
    %gather3A_379 = tpu.vector_load_idx %arg9[%get3A_378] : memref<1000xf32, #tpu.memory_space<vmem>>[vector<16xi32>], vector<16xf32>,
    %swap3A_380 = arith.constant 688 : index
    %swap3A_381 = tpu.vector_load %arg10[%swap3A_380] {strides = array<i32>} : memref<1024xf32, #tpu.memory_space<vmem>>, vector<16xf32>,
    tpu.vector_store %arg10[%swap3A_380], %gather3A_379 {strides = array<i32>} : memref<1024xf32, #tpu.memory_space<vmem>>, vector<16xf32>,
    %gather3A_382 = tpu.vector_load_idx %arg8[%get3A_378] : memref<1000xf32, #tpu.memory_space<vmem>>[vector<16xi32>], vector<16xf32>,
    %swap3A_383 = arith.constant 688 : index
    %swap3A_384 = tpu.vector_load %arg11[%swap3A_383] {strides = array<i32>} : memref<1024xf32, #tpu.memory_space<vmem>>, vector<16xf32>,
    tpu.vector_store %arg11[%swap3A_383], %gather3A_382 {strides = array<i32>} : memref<1024xf32, #tpu.memory_space<vmem>>, vector<16xf32>,
    %get3A_385 = arith.constant 704 : index
    %get3A_386 = tpu.vector_load %arg7[%get3A_385] {strides = array<i32>} : memref<1024xi32, #tpu.memory_space<vmem>>, vector<16xi32>,
    %gather3A_387 = tpu.vector_load_idx %arg9[%get3A_386] : memref<1000xf32, #tpu.memory_space<vmem>>[vector<16xi32>], vector<16xf32>,
    %swap3A_388 = arith.constant 704 : index
    %swap3A_389 = tpu.vector_load %arg10[%swap3A_388] {strides = array<i32>} : memref<1024xf32, #tpu.memory_space<vmem>>, vector<16xf32>,
    tpu.vector_store %arg10[%swap3A_388], %gather3A_387 {strides = array<i32>} : memref<1024xf32, #tpu.memory_space<vmem>>, vector<16xf32>,
    %gather3A_390 = tpu.vector_load_idx %arg8[%get3A_386] : memref<1000xf32, #tpu.memory_space<vmem>>[vector<16xi32>], vector<16xf32>,
    %swap3A_391 = arith.constant 704 : index
    %swap3A_392 = tpu.vector_load %arg11[%swap3A_391] {strides = array<i32>} : memref<1024xf32, #tpu.memory_space<vmem>>, vector<16xf32>,
    tpu.vector_store %arg11[%swap3A_391], %gather3A_390 {strides = array<i32>} : memref<1024xf32, #tpu.memory_space<vmem>>, vector<16xf32>,
    %get3A_393 = arith.constant 720 : index
    %get3A_394 = tpu.vector_load %arg7[%get3A_393] {strides = array<i32>} : memref<1024xi32, #tpu.memory_space<vmem>>, vector<16xi32>,
    %gather3A_395 = tpu.vector_load_idx %arg9[%get3A_394] : memref<1000xf32, #tpu.memory_space<vmem>>[vector<16xi32>], vector<16xf32>,
    %swap3A_396 = arith.constant 720 : index
    %swap3A_397 = tpu.vector_load %arg10[%swap3A_396] {strides = array<i32>} : memref<1024xf32, #tpu.memory_space<vmem>>, vector<16xf32>,
    tpu.vector_store %arg10[%swap3A_396], %gather3A_395 {strides = array<i32>} : memref<1024xf32, #tpu.memory_space<vmem>>, vector<16xf32>,
    %gather3A_398 = tpu.vector_load_idx %arg8[%get3A_394] : memref<1000xf32, #tpu.memory_space<vmem>>[vector<16xi32>], vector<16xf32>,
    %swap3A_399 = arith.constant 720 : index
    %swap3A_400 = tpu.vector_load %arg11[%swap3A_399] {strides = array<i32>} : memref<1024xf32, #tpu.memory_space<vmem>>, vector<16xf32>,
    tpu.vector_store %arg11[%swap3A_399], %gather3A_398 {strides = array<i32>} : memref<1024xf32, #tpu.memory_space<vmem>>, vector<16xf32>,
    %get3A_401 = arith.constant 736 : index
    %get3A_402 = tpu.vector_load %arg7[%get3A_401] {strides = array<i32>} : memref<1024xi32, #tpu.memory_space<vmem>>, vector<16xi32>,
    %gather3A_403 = tpu.vector_load_idx %arg9[%get3A_402] : memref<1000xf32, #tpu.memory_space<vmem>>[vector<16xi32>], vector<16xf32>,
    %swap3A_404 = arith.constant 736 : index
    %swap3A_405 = tpu.vector_load %arg10[%swap3A_404] {strides = array<i32>} : memref<1024xf32, #tpu.memory_space<vmem>>, vector<16xf32>,
    tpu.vector_store %arg10[%swap3A_404], %gather3A_403 {strides = array<i32>} : memref<1024xf32, #tpu.memory_space<vmem>>, vector<16xf32>,
    %gather3A_406 = tpu.vector_load_idx %arg8[%get3A_402] : memref<1000xf32, #tpu.memory_space<vmem>>[vector<16xi32>], vector<16xf32>,
    %swap3A_407 = arith.constant 736 : index
    %swap3A_408 = tpu.vector_load %arg11[%swap3A_407] {strides = array<i32>} : memref<1024xf32, #tpu.memory_space<vmem>>, vector<16xf32>,
    tpu.vector_store %arg11[%swap3A_407], %gather3A_406 {strides = array<i32>} : memref<1024xf32, #tpu.memory_space<vmem>>, vector<16xf32>,
    %get3A_409 = arith.constant 752 : index
    %get3A_410 = tpu.vector_load %arg7[%get3A_409] {strides = array<i32>} : memref<1024xi32, #tpu.memory_space<vmem>>, vector<16xi32>,
    %gather3A_411 = tpu.vector_load_idx %arg9[%get3A_410] : memref<1000xf32, #tpu.memory_space<vmem>>[vector<16xi32>], vector<16xf32>,
    %swap3A_412 = arith.constant 752 : index
    %swap3A_413 = tpu.vector_load %arg10[%swap3A_412] {strides = array<i32>} : memref<1024xf32, #tpu.memory_space<vmem>>, vector<16xf32>,
    tpu.vector_store %arg10[%swap3A_412], %gather3A_411 {strides = array<i32>} : memref<1024xf32, #tpu.memory_space<vmem>>, vector<16xf32>,
    %gather3A_414 = tpu.vector_load_idx %arg8[%get3A_410] : memref<1000xf32, #tpu.memory_space<vmem>>[vector<16xi32>], vector<16xf32>,
    %swap3A_415 = arith.constant 752 : index
    %swap3A_416 = tpu.vector_load %arg11[%swap3A_415] {strides = array<i32>} : memref<1024xf32, #tpu.memory_space<vmem>>, vector<16xf32>,
    tpu.vector_store %arg11[%swap3A_415], %gather3A_414 {strides = array<i32>} : memref<1024xf32, #tpu.memory_space<vmem>>, vector<16xf32>,
    %add3A_417 = arith.constant 512 : i32
    %add3A_418 = arith.addi %mul3A_0, %add3A_417 : i32
    %add3A_419 = arith.constant 512 : i32
    %add3A_420 = arith.addi %mul3A_0, %add3A_419 : i32
    %dma_start3A_421 = arith.constant 512 : i32
    %dma_start3A_422 = tpu.memref_slice %arg10[%dma_start3A_421] : memref<1024xf32, #tpu.memory_space<vmem>> -> memref<256xf32, #tpu.memory_space<vmem>>
    %dma_start3A_423 = tpu.memref_slice %arg5[%add3A_418] : memref<16384xf32, #tpu.memory_space<hbm>> -> memref<256xf32, #tpu.memory_space<hbm>>
    %dma_start3A_424 = tpu.memref_slice %arg5[%add3A_418] : memref<16384xf32, #tpu.memory_space<hbm>> -> memref<256xf32, #tpu.memory_space<hbm>>
    %dma_start3A_425 = arith.constant 512 : i32
    %dma_start3A_426 = tpu.memref_slice %arg10[%dma_start3A_425] : memref<1024xf32, #tpu.memory_space<vmem>> -> memref<256xf32, #tpu.memory_space<vmem>>
    tpu.enqueue_dma source(%dma_start3A_426 : memref<256xf32, #tpu.memory_space<vmem>>) target(%dma_start3A_424 : memref<256xf32, #tpu.memory_space<hbm>>) target_semaphore(%arg15 : memref<!tpu.dma_semaphore, #tpu.memory_space<semaphore_mem>>)
    %dma_start3A_427 = arith.constant 512 : i32
    %dma_start3A_428 = tpu.memref_slice %arg11[%dma_start3A_427] : memref<1024xf32, #tpu.memory_space<vmem>> -> memref<256xf32, #tpu.memory_space<vmem>>
    %dma_start3A_429 = tpu.memref_slice %arg6[%add3A_420] : memref<16384xf32, #tpu.memory_space<hbm>> -> memref<256xf32, #tpu.memory_space<hbm>>
    %dma_start3A_430 = tpu.memref_slice %arg6[%add3A_420] : memref<16384xf32, #tpu.memory_space<hbm>> -> memref<256xf32, #tpu.memory_space<hbm>>
    %dma_start3A_431 = arith.constant 512 : i32
    %dma_start3A_432 = tpu.memref_slice %arg11[%dma_start3A_431] : memref<1024xf32, #tpu.memory_space<vmem>> -> memref<256xf32, #tpu.memory_space<vmem>>
    tpu.enqueue_dma source(%dma_start3A_432 : memref<256xf32, #tpu.memory_space<vmem>>) target(%dma_start3A_430 : memref<256xf32, #tpu.memory_space<hbm>>) target_semaphore(%arg15 : memref<!tpu.dma_semaphore, #tpu.memory_space<semaphore_mem>>)
    %get3A_433 = arith.constant 768 : index
    %get3A_434 = tpu.vector_load %arg7[%get3A_433] {strides = array<i32>} : memref<1024xi32, #tpu.memory_space<vmem>>, vector<16xi32>,
    %gather3A_435 = tpu.vector_load_idx %arg9[%get3A_434] : memref<1000xf32, #tpu.memory_space<vmem>>[vector<16xi32>], vector<16xf32>,
    %swap3A_436 = arith.constant 768 : index
    %swap3A_437 = tpu.vector_load %arg10[%swap3A_436] {strides = array<i32>} : memref<1024xf32, #tpu.memory_space<vmem>>, vector<16xf32>,
    tpu.vector_store %arg10[%swap3A_436], %gather3A_435 {strides = array<i32>} : memref<1024xf32, #tpu.memory_space<vmem>>, vector<16xf32>,
    %gather3A_438 = tpu.vector_load_idx %arg8[%get3A_434] : memref<1000xf32, #tpu.memory_space<vmem>>[vector<16xi32>], vector<16xf32>,
    %swap3A_439 = arith.constant 768 : index
    %swap3A_440 = tpu.vector_load %arg11[%swap3A_439] {strides = array<i32>} : memref<1024xf32, #tpu.memory_space<vmem>>, vector<16xf32>,
    tpu.vector_store %arg11[%swap3A_439], %gather3A_438 {strides = array<i32>} : memref<1024xf32, #tpu.memory_space<vmem>>, vector<16xf32>,
    %get3A_441 = arith.constant 784 : index
    %get3A_442 = tpu.vector_load %arg7[%get3A_441] {strides = array<i32>} : memref<1024xi32, #tpu.memory_space<vmem>>, vector<16xi32>,
    %gather3A_443 = tpu.vector_load_idx %arg9[%get3A_442] : memref<1000xf32, #tpu.memory_space<vmem>>[vector<16xi32>], vector<16xf32>,
    %swap3A_444 = arith.constant 784 : index
    %swap3A_445 = tpu.vector_load %arg10[%swap3A_444] {strides = array<i32>} : memref<1024xf32, #tpu.memory_space<vmem>>, vector<16xf32>,
    tpu.vector_store %arg10[%swap3A_444], %gather3A_443 {strides = array<i32>} : memref<1024xf32, #tpu.memory_space<vmem>>, vector<16xf32>,
    %gather3A_446 = tpu.vector_load_idx %arg8[%get3A_442] : memref<1000xf32, #tpu.memory_space<vmem>>[vector<16xi32>], vector<16xf32>,
    %swap3A_447 = arith.constant 784 : index
    %swap3A_448 = tpu.vector_load %arg11[%swap3A_447] {strides = array<i32>} : memref<1024xf32, #tpu.memory_space<vmem>>, vector<16xf32>,
    tpu.vector_store %arg11[%swap3A_447], %gather3A_446 {strides = array<i32>} : memref<1024xf32, #tpu.memory_space<vmem>>, vector<16xf32>,
    %get3A_449 = arith.constant 800 : index
    %get3A_450 = tpu.vector_load %arg7[%get3A_449] {strides = array<i32>} : memref<1024xi32, #tpu.memory_space<vmem>>, vector<16xi32>,
    %gather3A_451 = tpu.vector_load_idx %arg9[%get3A_450] : memref<1000xf32, #tpu.memory_space<vmem>>[vector<16xi32>], vector<16xf32>,
    %swap3A_452 = arith.constant 800 : index
    %swap3A_453 = tpu.vector_load %arg10[%swap3A_452] {strides = array<i32>} : memref<1024xf32, #tpu.memory_space<vmem>>, vector<16xf32>,
    tpu.vector_store %arg10[%swap3A_452], %gather3A_451 {strides = array<i32>} : memref<1024xf32, #tpu.memory_space<vmem>>, vector<16xf32>,
    %gather3A_454 = tpu.vector_load_idx %arg8[%get3A_450] : memref<1000xf32, #tpu.memory_space<vmem>>[vector<16xi32>], vector<16xf32>,
    %swap3A_455 = arith.constant 800 : index
    %swap3A_456 = tpu.vector_load %arg11[%swap3A_455] {strides = array<i32>} : memref<1024xf32, #tpu.memory_space<vmem>>, vector<16xf32>,
    tpu.vector_store %arg11[%swap3A_455], %gather3A_454 {strides = array<i32>} : memref<1024xf32, #tpu.memory_space<vmem>>, vector<16xf32>,
    %get3A_457 = arith.constant 816 : index
    %get3A_458 = tpu.vector_load %arg7[%get3A_457] {strides = array<i32>} : memref<1024xi32, #tpu.memory_space<vmem>>, vector<16xi32>,
    %gather3A_459 = tpu.vector_load_idx %arg9[%get3A_458] : memref<1000xf32, #tpu.memory_space<vmem>>[vector<16xi32>], vector<16xf32>,
    %swap3A_460 = arith.constant 816 : index
    %swap3A_461 = tpu.vector_load %arg10[%swap3A_460] {strides = array<i32>} : memref<1024xf32, #tpu.memory_space<vmem>>, vector<16xf32>,
    tpu.vector_store %arg10[%swap3A_460], %gather3A_459 {strides = array<i32>} : memref<1024xf32, #tpu.memory_space<vmem>>, vector<16xf32>,
    %gather3A_462 = tpu.vector_load_idx %arg8[%get3A_458] : memref<1000xf32, #tpu.memory_space<vmem>>[vector<16xi32>], vector<16xf32>,
    %swap3A_463 = arith.constant 816 : index
    %swap3A_464 = tpu.vector_load %arg11[%swap3A_463] {strides = array<i32>} : memref<1024xf32, #tpu.memory_space<vmem>>, vector<16xf32>,
    tpu.vector_store %arg11[%swap3A_463], %gather3A_462 {strides = array<i32>} : memref<1024xf32, #tpu.memory_space<vmem>>, vector<16xf32>,
    %get3A_465 = arith.constant 832 : index
    %get3A_466 = tpu.vector_load %arg7[%get3A_465] {strides = array<i32>} : memref<1024xi32, #tpu.memory_space<vmem>>, vector<16xi32>,
    %gather3A_467 = tpu.vector_load_idx %arg9[%get3A_466] : memref<1000xf32, #tpu.memory_space<vmem>>[vector<16xi32>], vector<16xf32>,
    %swap3A_468 = arith.constant 832 : index
    %swap3A_469 = tpu.vector_load %arg10[%swap3A_468] {strides = array<i32>} : memref<1024xf32, #tpu.memory_space<vmem>>, vector<16xf32>,
    tpu.vector_store %arg10[%swap3A_468], %gather3A_467 {strides = array<i32>} : memref<1024xf32, #tpu.memory_space<vmem>>, vector<16xf32>,
    %gather3A_470 = tpu.vector_load_idx %arg8[%get3A_466] : memref<1000xf32, #tpu.memory_space<vmem>>[vector<16xi32>], vector<16xf32>,
    %swap3A_471 = arith.constant 832 : index
    %swap3A_472 = tpu.vector_load %arg11[%swap3A_471] {strides = array<i32>} : memref<1024xf32, #tpu.memory_space<vmem>>, vector<16xf32>,
    tpu.vector_store %arg11[%swap3A_471], %gather3A_470 {strides = array<i32>} : memref<1024xf32, #tpu.memory_space<vmem>>, vector<16xf32>,
    %get3A_473 = arith.constant 848 : index
    %get3A_474 = tpu.vector_load %arg7[%get3A_473] {strides = array<i32>} : memref<1024xi32, #tpu.memory_space<vmem>>, vector<16xi32>,
    %gather3A_475 = tpu.vector_load_idx %arg9[%get3A_474] : memref<1000xf32, #tpu.memory_space<vmem>>[vector<16xi32>], vector<16xf32>,
    %swap3A_476 = arith.constant 848 : index
    %swap3A_477 = tpu.vector_load %arg10[%swap3A_476] {strides = array<i32>} : memref<1024xf32, #tpu.memory_space<vmem>>, vector<16xf32>,
    tpu.vector_store %arg10[%swap3A_476], %gather3A_475 {strides = array<i32>} : memref<1024xf32, #tpu.memory_space<vmem>>, vector<16xf32>,
    %gather3A_478 = tpu.vector_load_idx %arg8[%get3A_474] : memref<1000xf32, #tpu.memory_space<vmem>>[vector<16xi32>], vector<16xf32>,
    %swap3A_479 = arith.constant 848 : index
    %swap3A_480 = tpu.vector_load %arg11[%swap3A_479] {strides = array<i32>} : memref<1024xf32, #tpu.memory_space<vmem>>, vector<16xf32>,
    tpu.vector_store %arg11[%swap3A_479], %gather3A_478 {strides = array<i32>} : memref<1024xf32, #tpu.memory_space<vmem>>, vector<16xf32>,
    %get3A_481 = arith.constant 864 : index
    %get3A_482 = tpu.vector_load %arg7[%get3A_481] {strides = array<i32>} : memref<1024xi32, #tpu.memory_space<vmem>>, vector<16xi32>,
    %gather3A_483 = tpu.vector_load_idx %arg9[%get3A_482] : memref<1000xf32, #tpu.memory_space<vmem>>[vector<16xi32>], vector<16xf32>,
    %swap3A_484 = arith.constant 864 : index
    %swap3A_485 = tpu.vector_load %arg10[%swap3A_484] {strides = array<i32>} : memref<1024xf32, #tpu.memory_space<vmem>>, vector<16xf32>,
    tpu.vector_store %arg10[%swap3A_484], %gather3A_483 {strides = array<i32>} : memref<1024xf32, #tpu.memory_space<vmem>>, vector<16xf32>,
    %gather3A_486 = tpu.vector_load_idx %arg8[%get3A_482] : memref<1000xf32, #tpu.memory_space<vmem>>[vector<16xi32>], vector<16xf32>,
    %swap3A_487 = arith.constant 864 : index
    %swap3A_488 = tpu.vector_load %arg11[%swap3A_487] {strides = array<i32>} : memref<1024xf32, #tpu.memory_space<vmem>>, vector<16xf32>,
    tpu.vector_store %arg11[%swap3A_487], %gather3A_486 {strides = array<i32>} : memref<1024xf32, #tpu.memory_space<vmem>>, vector<16xf32>,
    %get3A_489 = arith.constant 880 : index
    %get3A_490 = tpu.vector_load %arg7[%get3A_489] {strides = array<i32>} : memref<1024xi32, #tpu.memory_space<vmem>>, vector<16xi32>,
    %gather3A_491 = tpu.vector_load_idx %arg9[%get3A_490] : memref<1000xf32, #tpu.memory_space<vmem>>[vector<16xi32>], vector<16xf32>,
    %swap3A_492 = arith.constant 880 : index
    %swap3A_493 = tpu.vector_load %arg10[%swap3A_492] {strides = array<i32>} : memref<1024xf32, #tpu.memory_space<vmem>>, vector<16xf32>,
    tpu.vector_store %arg10[%swap3A_492], %gather3A_491 {strides = array<i32>} : memref<1024xf32, #tpu.memory_space<vmem>>, vector<16xf32>,
    %gather3A_494 = tpu.vector_load_idx %arg8[%get3A_490] : memref<1000xf32, #tpu.memory_space<vmem>>[vector<16xi32>], vector<16xf32>,
    %swap3A_495 = arith.constant 880 : index
    %swap3A_496 = tpu.vector_load %arg11[%swap3A_495] {strides = array<i32>} : memref<1024xf32, #tpu.memory_space<vmem>>, vector<16xf32>,
    tpu.vector_store %arg11[%swap3A_495], %gather3A_494 {strides = array<i32>} : memref<1024xf32, #tpu.memory_space<vmem>>, vector<16xf32>,
    %get3A_497 = arith.constant 896 : index
    %get3A_498 = tpu.vector_load %arg7[%get3A_497] {strides = array<i32>} : memref<1024xi32, #tpu.memory_space<vmem>>, vector<16xi32>,
    %gather3A_499 = tpu.vector_load_idx %arg9[%get3A_498] : memref<1000xf32, #tpu.memory_space<vmem>>[vector<16xi32>], vector<16xf32>,
    %swap3A_500 = arith.constant 896 : index
    %swap3A_501 = tpu.vector_load %arg10[%swap3A_500] {strides = array<i32>} : memref<1024xf32, #tpu.memory_space<vmem>>, vector<16xf32>,
    tpu.vector_store %arg10[%swap3A_500], %gather3A_499 {strides = array<i32>} : memref<1024xf32, #tpu.memory_space<vmem>>, vector<16xf32>,
    %gather3A_502 = tpu.vector_load_idx %arg8[%get3A_498] : memref<1000xf32, #tpu.memory_space<vmem>>[vector<16xi32>], vector<16xf32>,
    %swap3A_503 = arith.constant 896 : index
    %swap3A_504 = tpu.vector_load %arg11[%swap3A_503] {strides = array<i32>} : memref<1024xf32, #tpu.memory_space<vmem>>, vector<16xf32>,
    tpu.vector_store %arg11[%swap3A_503], %gather3A_502 {strides = array<i32>} : memref<1024xf32, #tpu.memory_space<vmem>>, vector<16xf32>,
    %get3A_505 = arith.constant 912 : index
    %get3A_506 = tpu.vector_load %arg7[%get3A_505] {strides = array<i32>} : memref<1024xi32, #tpu.memory_space<vmem>>, vector<16xi32>,
    %gather3A_507 = tpu.vector_load_idx %arg9[%get3A_506] : memref<1000xf32, #tpu.memory_space<vmem>>[vector<16xi32>], vector<16xf32>,
    %swap3A_508 = arith.constant 912 : index
    %swap3A_509 = tpu.vector_load %arg10[%swap3A_508] {strides = array<i32>} : memref<1024xf32, #tpu.memory_space<vmem>>, vector<16xf32>,
    tpu.vector_store %arg10[%swap3A_508], %gather3A_507 {strides = array<i32>} : memref<1024xf32, #tpu.memory_space<vmem>>, vector<16xf32>,
    %gather3A_510 = tpu.vector_load_idx %arg8[%get3A_506] : memref<1000xf32, #tpu.memory_space<vmem>>[vector<16xi32>], vector<16xf32>,
    %swap3A_511 = arith.constant 912 : index
    %swap3A_512 = tpu.vector_load %arg11[%swap3A_511] {strides = array<i32>} : memref<1024xf32, #tpu.memory_space<vmem>>, vector<16xf32>,
    tpu.vector_store %arg11[%swap3A_511], %gather3A_510 {strides = array<i32>} : memref<1024xf32, #tpu.memory_space<vmem>>, vector<16xf32>,
    %get3A_513 = arith.constant 928 : index
    %get3A_514 = tpu.vector_load %arg7[%get3A_513] {strides = array<i32>} : memref<1024xi32, #tpu.memory_space<vmem>>, vector<16xi32>,
    %gather3A_515 = tpu.vector_load_idx %arg9[%get3A_514] : memref<1000xf32, #tpu.memory_space<vmem>>[vector<16xi32>], vector<16xf32>,
    %swap3A_516 = arith.constant 928 : index
    %swap3A_517 = tpu.vector_load %arg10[%swap3A_516] {strides = array<i32>} : memref<1024xf32, #tpu.memory_space<vmem>>, vector<16xf32>,
    tpu.vector_store %arg10[%swap3A_516], %gather3A_515 {strides = array<i32>} : memref<1024xf32, #tpu.memory_space<vmem>>, vector<16xf32>,
    %gather3A_518 = tpu.vector_load_idx %arg8[%get3A_514] : memref<1000xf32, #tpu.memory_space<vmem>>[vector<16xi32>], vector<16xf32>,
    %swap3A_519 = arith.constant 928 : index
    %swap3A_520 = tpu.vector_load %arg11[%swap3A_519] {strides = array<i32>} : memref<1024xf32, #tpu.memory_space<vmem>>, vector<16xf32>,
    tpu.vector_store %arg11[%swap3A_519], %gather3A_518 {strides = array<i32>} : memref<1024xf32, #tpu.memory_space<vmem>>, vector<16xf32>,
    %get3A_521 = arith.constant 944 : index
    %get3A_522 = tpu.vector_load %arg7[%get3A_521] {strides = array<i32>} : memref<1024xi32, #tpu.memory_space<vmem>>, vector<16xi32>,
    %gather3A_523 = tpu.vector_load_idx %arg9[%get3A_522] : memref<1000xf32, #tpu.memory_space<vmem>>[vector<16xi32>], vector<16xf32>,
    %swap3A_524 = arith.constant 944 : index
    %swap3A_525 = tpu.vector_load %arg10[%swap3A_524] {strides = array<i32>} : memref<1024xf32, #tpu.memory_space<vmem>>, vector<16xf32>,
    tpu.vector_store %arg10[%swap3A_524], %gather3A_523 {strides = array<i32>} : memref<1024xf32, #tpu.memory_space<vmem>>, vector<16xf32>,
    %gather3A_526 = tpu.vector_load_idx %arg8[%get3A_522] : memref<1000xf32, #tpu.memory_space<vmem>>[vector<16xi32>], vector<16xf32>,
    %swap3A_527 = arith.constant 944 : index
    %swap3A_528 = tpu.vector_load %arg11[%swap3A_527] {strides = array<i32>} : memref<1024xf32, #tpu.memory_space<vmem>>, vector<16xf32>,
    tpu.vector_store %arg11[%swap3A_527], %gather3A_526 {strides = array<i32>} : memref<1024xf32, #tpu.memory_space<vmem>>, vector<16xf32>,
    %get3A_529 = arith.constant 960 : index
    %get3A_530 = tpu.vector_load %arg7[%get3A_529] {strides = array<i32>} : memref<1024xi32, #tpu.memory_space<vmem>>, vector<16xi32>,
    %gather3A_531 = tpu.vector_load_idx %arg9[%get3A_530] : memref<1000xf32, #tpu.memory_space<vmem>>[vector<16xi32>], vector<16xf32>,
    %swap3A_532 = arith.constant 960 : index
    %swap3A_533 = tpu.vector_load %arg10[%swap3A_532] {strides = array<i32>} : memref<1024xf32, #tpu.memory_space<vmem>>, vector<16xf32>,
    tpu.vector_store %arg10[%swap3A_532], %gather3A_531 {strides = array<i32>} : memref<1024xf32, #tpu.memory_space<vmem>>, vector<16xf32>,
    %gather3A_534 = tpu.vector_load_idx %arg8[%get3A_530] : memref<1000xf32, #tpu.memory_space<vmem>>[vector<16xi32>], vector<16xf32>,
    %swap3A_535 = arith.constant 960 : index
    %swap3A_536 = tpu.vector_load %arg11[%swap3A_535] {strides = array<i32>} : memref<1024xf32, #tpu.memory_space<vmem>>, vector<16xf32>,
    tpu.vector_store %arg11[%swap3A_535], %gather3A_534 {strides = array<i32>} : memref<1024xf32, #tpu.memory_space<vmem>>, vector<16xf32>,
    %get3A_537 = arith.constant 976 : index
    %get3A_538 = tpu.vector_load %arg7[%get3A_537] {strides = array<i32>} : memref<1024xi32, #tpu.memory_space<vmem>>, vector<16xi32>,
    %gather3A_539 = tpu.vector_load_idx %arg9[%get3A_538] : memref<1000xf32, #tpu.memory_space<vmem>>[vector<16xi32>], vector<16xf32>,
    %swap3A_540 = arith.constant 976 : index
    %swap3A_541 = tpu.vector_load %arg10[%swap3A_540] {strides = array<i32>} : memref<1024xf32, #tpu.memory_space<vmem>>, vector<16xf32>,
    tpu.vector_store %arg10[%swap3A_540], %gather3A_539 {strides = array<i32>} : memref<1024xf32, #tpu.memory_space<vmem>>, vector<16xf32>,
    %gather3A_542 = tpu.vector_load_idx %arg8[%get3A_538] : memref<1000xf32, #tpu.memory_space<vmem>>[vector<16xi32>], vector<16xf32>,
    %swap3A_543 = arith.constant 976 : index
    %swap3A_544 = tpu.vector_load %arg11[%swap3A_543] {strides = array<i32>} : memref<1024xf32, #tpu.memory_space<vmem>>, vector<16xf32>,
    tpu.vector_store %arg11[%swap3A_543], %gather3A_542 {strides = array<i32>} : memref<1024xf32, #tpu.memory_space<vmem>>, vector<16xf32>,
    %get3A_545 = arith.constant 992 : index
    %get3A_546 = tpu.vector_load %arg7[%get3A_545] {strides = array<i32>} : memref<1024xi32, #tpu.memory_space<vmem>>, vector<16xi32>,
    %gather3A_547 = tpu.vector_load_idx %arg9[%get3A_546] : memref<1000xf32, #tpu.memory_space<vmem>>[vector<16xi32>], vector<16xf32>,
    %swap3A_548 = arith.constant 992 : index
    %swap3A_549 = tpu.vector_load %arg10[%swap3A_548] {strides = array<i32>} : memref<1024xf32, #tpu.memory_space<vmem>>, vector<16xf32>,
    tpu.vector_store %arg10[%swap3A_548], %gather3A_547 {strides = array<i32>} : memref<1024xf32, #tpu.memory_space<vmem>>, vector<16xf32>,
    %gather3A_550 = tpu.vector_load_idx %arg8[%get3A_546] : memref<1000xf32, #tpu.memory_space<vmem>>[vector<16xi32>], vector<16xf32>,
    %swap3A_551 = arith.constant 992 : index
    %swap3A_552 = tpu.vector_load %arg11[%swap3A_551] {strides = array<i32>} : memref<1024xf32, #tpu.memory_space<vmem>>, vector<16xf32>,
    tpu.vector_store %arg11[%swap3A_551], %gather3A_550 {strides = array<i32>} : memref<1024xf32, #tpu.memory_space<vmem>>, vector<16xf32>,
    %get3A_553 = arith.constant 1008 : index
    %get3A_554 = tpu.vector_load %arg7[%get3A_553] {strides = array<i32>} : memref<1024xi32, #tpu.memory_space<vmem>>, vector<16xi32>,
    %gather3A_555 = tpu.vector_load_idx %arg9[%get3A_554] : memref<1000xf32, #tpu.memory_space<vmem>>[vector<16xi32>], vector<16xf32>,
    %swap3A_556 = arith.constant 1008 : index
    %swap3A_557 = tpu.vector_load %arg10[%swap3A_556] {strides = array<i32>} : memref<1024xf32, #tpu.memory_space<vmem>>, vector<16xf32>,
    tpu.vector_store %arg10[%swap3A_556], %gather3A_555 {strides = array<i32>} : memref<1024xf32, #tpu.memory_space<vmem>>, vector<16xf32>,
    %gather3A_558 = tpu.vector_load_idx %arg8[%get3A_554] : memref<1000xf32, #tpu.memory_space<vmem>>[vector<16xi32>], vector<16xf32>,
    %swap3A_559 = arith.constant 1008 : index
    %swap3A_560 = tpu.vector_load %arg11[%swap3A_559] {strides = array<i32>} : memref<1024xf32, #tpu.memory_space<vmem>>, vector<16xf32>,
    tpu.vector_store %arg11[%swap3A_559], %gather3A_558 {strides = array<i32>} : memref<1024xf32, #tpu.memory_space<vmem>>, vector<16xf32>,
    %add3A_561 = arith.constant 512 : i32
    %add3A_562 = arith.addi %mul3A_0, %add3A_561 : i32
    %add3A_563 = arith.constant 256 : i32
    %add3A_564 = arith.addi %add3A_562, %add3A_563 : i32
    %add3A_565 = arith.constant 512 : i32
    %add3A_566 = arith.addi %mul3A_0, %add3A_565 : i32
    %add3A_567 = arith.constant 256 : i32
    %add3A_568 = arith.addi %add3A_566, %add3A_567 : i32
    %dma_start3A_569 = arith.constant 768 : i32
    %dma_start3A_570 = tpu.memref_slice %arg10[%dma_start3A_569] : memref<1024xf32, #tpu.memory_space<vmem>> -> memref<256xf32, #tpu.memory_space<vmem>>
    %dma_start3A_571 = tpu.memref_slice %arg5[%add3A_564] : memref<16384xf32, #tpu.memory_space<hbm>> -> memref<256xf32, #tpu.memory_space<hbm>>
    %dma_start3A_572 = tpu.memref_slice %arg5[%add3A_564] : memref<16384xf32, #tpu.memory_space<hbm>> -> memref<256xf32, #tpu.memory_space<hbm>>
    %dma_start3A_573 = arith.constant 768 : i32
    %dma_start3A_574 = tpu.memref_slice %arg10[%dma_start3A_573] : memref<1024xf32, #tpu.memory_space<vmem>> -> memref<256xf32, #tpu.memory_space<vmem>>
    tpu.enqueue_dma source(%dma_start3A_574 : memref<256xf32, #tpu.memory_space<vmem>>) target(%dma_start3A_572 : memref<256xf32, #tpu.memory_space<hbm>>) target_semaphore(%arg15 : memref<!tpu.dma_semaphore, #tpu.memory_space<semaphore_mem>>)
    %dma_start3A_575 = arith.constant 768 : i32
    %dma_start3A_576 = tpu.memref_slice %arg11[%dma_start3A_575] : memref<1024xf32, #tpu.memory_space<vmem>> -> memref<256xf32, #tpu.memory_space<vmem>>
    %dma_start3A_577 = tpu.memref_slice %arg6[%add3A_568] : memref<16384xf32, #tpu.memory_space<hbm>> -> memref<256xf32, #tpu.memory_space<hbm>>
    %dma_start3A_578 = tpu.memref_slice %arg6[%add3A_568] : memref<16384xf32, #tpu.memory_space<hbm>> -> memref<256xf32, #tpu.memory_space<hbm>>
    %dma_start3A_579 = arith.constant 768 : i32
    %dma_start3A_580 = tpu.memref_slice %arg11[%dma_start3A_579] : memref<1024xf32, #tpu.memory_space<vmem>> -> memref<256xf32, #tpu.memory_space<vmem>>
    tpu.enqueue_dma source(%dma_start3A_580 : memref<256xf32, #tpu.memory_space<vmem>>) target(%dma_start3A_578 : memref<256xf32, #tpu.memory_space<hbm>>) target_semaphore(%arg15 : memref<!tpu.dma_semaphore, #tpu.memory_space<semaphore_mem>>)
    %dma_wait3A_581 = arith.constant 0 : i32
    %dma_wait3A_582 = tpu.memref_slice %arg10[%dma_wait3A_581] : memref<1024xf32, #tpu.memory_space<vmem>> -> memref<512xf32, #tpu.memory_space<vmem>>
    %dma_wait3A_583 = tpu.memref_slice %arg5[%mul3A_0] : memref<16384xf32, #tpu.memory_space<hbm>> -> memref<512xf32, #tpu.memory_space<hbm>>
    %dma_wait3A_584 = tpu.memref_slice %arg5[%mul3A_0] : memref<16384xf32, #tpu.memory_space<hbm>> -> memref<512xf32, #tpu.memory_space<hbm>>
    %dma_wait3A_585 = arith.constant 0 : i32
    %dma_wait3A_586 = tpu.memref_slice %arg10[%dma_wait3A_585] : memref<1024xf32, #tpu.memory_space<vmem>> -> memref<512xf32, #tpu.memory_space<vmem>>
    tpu.wait_dma2 semaphore(%arg15 : memref<!tpu.dma_semaphore, #tpu.memory_space<semaphore_mem>>) src(%dma_wait3A_586 : memref<512xf32, #tpu.memory_space<vmem>>) dst(%dma_wait3A_584 : memref<512xf32, #tpu.memory_space<hbm>>)
    %dma_wait3A_587 = arith.constant 0 : i32
    %dma_wait3A_588 = tpu.memref_slice %arg11[%dma_wait3A_587] : memref<1024xf32, #tpu.memory_space<vmem>> -> memref<512xf32, #tpu.memory_space<vmem>>
    %dma_wait3A_589 = tpu.memref_slice %arg6[%mul3A_0] : memref<16384xf32, #tpu.memory_space<hbm>> -> memref<512xf32, #tpu.memory_space<hbm>>
    %dma_wait3A_590 = tpu.memref_slice %arg6[%mul3A_0] : memref<16384xf32, #tpu.memory_space<hbm>> -> memref<512xf32, #tpu.memory_space<hbm>>
    %dma_wait3A_591 = arith.constant 0 : i32
    %dma_wait3A_592 = tpu.memref_slice %arg11[%dma_wait3A_591] : memref<1024xf32, #tpu.memory_space<vmem>> -> memref<512xf32, #tpu.memory_space<vmem>>
    tpu.wait_dma2 semaphore(%arg15 : memref<!tpu.dma_semaphore, #tpu.memory_space<semaphore_mem>>) src(%dma_wait3A_592 : memref<512xf32, #tpu.memory_space<vmem>>) dst(%dma_wait3A_590 : memref<512xf32, #tpu.memory_space<hbm>>)
    %dma_wait3A_593 = arith.constant 512 : i32
    %dma_wait3A_594 = tpu.memref_slice %arg10[%dma_wait3A_593] : memref<1024xf32, #tpu.memory_space<vmem>> -> memref<256xf32, #tpu.memory_space<vmem>>
    %dma_wait3A_595 = tpu.memref_slice %arg5[%add3A_418] : memref<16384xf32, #tpu.memory_space<hbm>> -> memref<256xf32, #tpu.memory_space<hbm>>
    %dma_wait3A_596 = tpu.memref_slice %arg5[%add3A_418] : memref<16384xf32, #tpu.memory_space<hbm>> -> memref<256xf32, #tpu.memory_space<hbm>>
    %dma_wait3A_597 = arith.constant 512 : i32
    %dma_wait3A_598 = tpu.memref_slice %arg10[%dma_wait3A_597] : memref<1024xf32, #tpu.memory_space<vmem>> -> memref<256xf32, #tpu.memory_space<vmem>>
    tpu.wait_dma2 semaphore(%arg15 : memref<!tpu.dma_semaphore, #tpu.memory_space<semaphore_mem>>) src(%dma_wait3A_598 : memref<256xf32, #tpu.memory_space<vmem>>) dst(%dma_wait3A_596 : memref<256xf32, #tpu.memory_space<hbm>>)
    %dma_wait3A_599 = arith.constant 512 : i32
    %dma_wait3A_600 = tpu.memref_slice %arg11[%dma_wait3A_599] : memref<1024xf32, #tpu.memory_space<vmem>> -> memref<256xf32, #tpu.memory_space<vmem>>
    %dma_wait3A_601 = tpu.memref_slice %arg6[%add3A_420] : memref<16384xf32, #tpu.memory_space<hbm>> -> memref<256xf32, #tpu.memory_space<hbm>>
    %dma_wait3A_602 = tpu.memref_slice %arg6[%add3A_420] : memref<16384xf32, #tpu.memory_space<hbm>> -> memref<256xf32, #tpu.memory_space<hbm>>
    %dma_wait3A_603 = arith.constant 512 : i32
    %dma_wait3A_604 = tpu.memref_slice %arg11[%dma_wait3A_603] : memref<1024xf32, #tpu.memory_space<vmem>> -> memref<256xf32, #tpu.memory_space<vmem>>
    tpu.wait_dma2 semaphore(%arg15 : memref<!tpu.dma_semaphore, #tpu.memory_space<semaphore_mem>>) src(%dma_wait3A_604 : memref<256xf32, #tpu.memory_space<vmem>>) dst(%dma_wait3A_602 : memref<256xf32, #tpu.memory_space<hbm>>)
    %dma_wait3A_605 = arith.constant 768 : i32
    %dma_wait3A_606 = tpu.memref_slice %arg10[%dma_wait3A_605] : memref<1024xf32, #tpu.memory_space<vmem>> -> memref<256xf32, #tpu.memory_space<vmem>>
    %dma_wait3A_607 = tpu.memref_slice %arg5[%add3A_564] : memref<16384xf32, #tpu.memory_space<hbm>> -> memref<256xf32, #tpu.memory_space<hbm>>
    %dma_wait3A_608 = tpu.memref_slice %arg5[%add3A_564] : memref<16384xf32, #tpu.memory_space<hbm>> -> memref<256xf32, #tpu.memory_space<hbm>>
    %dma_wait3A_609 = arith.constant 768 : i32
    %dma_wait3A_610 = tpu.memref_slice %arg10[%dma_wait3A_609] : memref<1024xf32, #tpu.memory_space<vmem>> -> memref<256xf32, #tpu.memory_space<vmem>>
    tpu.wait_dma2 semaphore(%arg15 : memref<!tpu.dma_semaphore, #tpu.memory_space<semaphore_mem>>) src(%dma_wait3A_610 : memref<256xf32, #tpu.memory_space<vmem>>) dst(%dma_wait3A_608 : memref<256xf32, #tpu.memory_space<hbm>>)
    %dma_wait3A_611 = arith.constant 768 : i32
    %dma_wait3A_612 = tpu.memref_slice %arg11[%dma_wait3A_611] : memref<1024xf32, #tpu.memory_space<vmem>> -> memref<256xf32, #tpu.memory_space<vmem>>
    %dma_wait3A_613 = tpu.memref_slice %arg6[%add3A_568] : memref<16384xf32, #tpu.memory_space<hbm>> -> memref<256xf32, #tpu.memory_space<hbm>>
    %dma_wait3A_614 = tpu.memref_slice %arg6[%add3A_568] : memref<16384xf32, #tpu.memory_space<hbm>> -> memref<256xf32, #tpu.memory_space<hbm>>
    %dma_wait3A_615 = arith.constant 768 : i32
    %dma_wait3A_616 = tpu.memref_slice %arg11[%dma_wait3A_615] : memref<1024xf32, #tpu.memory_space<vmem>> -> memref<256xf32, #tpu.memory_space<vmem>>
    tpu.wait_dma2 semaphore(%arg15 : memref<!tpu.dma_semaphore, #tpu.memory_space<semaphore_mem>>) src(%dma_wait3A_616 : memref<256xf32, #tpu.memory_space<vmem>>) dst(%dma_wait3A_614 : memref<256xf32, #tpu.memory_space<hbm>>)
    return
  }
}

</mosaic_0001>

<sc_bundles>
// kernel: kernel.3.cloned.1.call-start
scs
__scs_entry_jumppad:
0x0: {  	(pc) =	sbr.rel $0x88, $3  }
0x1: {  	(tag) =	ssettag $0x0;
	lr =	simm.s32 $0x1  }
0x2: {  	[smem:$0x3F9E] =	sst lr;
	_ =	strace $0xD0000000  }
0x3: {  	_ = 	snop  }
0x4: {  	_ = 	snop  }
0x5: {  	_ = 	snop  }
0x6: {  	_ = 	snop  }
0x7: {  	_ = 	snop  }
__scs_overlays_trampoline_lowered:
0x8: {  	[smem:$0x3FAD] =	sst s0  }
0x9: {  	[smem:$0x3FAE] =	sst s1  }
0xa: {  	[smem:$0x3FAF] =	sst s2  }
0xb: {  	[smem:$0x3FB0] =	sst s3  }
0xc: {  	[smem:$0x3FB1] =	sst s4  }
0xd: {  	[smem:$0x3FB2] =	sst s5  }
0xe: {  	[smem:$0x3FB3] =	sst s6  }
0xf: {  	[smem:$0x3FB4] =	sst s7  }
0x10: {  	[smem:$0x3FB5] =	sst s8  }
0x11: {  	[smem:$0x3FB6] =	sst s9;
	s0 =	simm.s32 @!p0 $0x0  }
0x12: {  	s1 =	sld [smem:$0x3F9C];
	s0 =	simm.s32 @p0 $0x1  }
0x13: {  	[smem:$0x3FB7] =	sst s0;
	s0 =	simm.s32 @!p1 $0x0  }
0x14: {  	s2 =	sld [smem:$0x3F9B];
	s0 =	simm.s32 @p1 $0x1  }
0x15: {  	[smem:$0x3FB8] =	sst s0;
	s0 =	simm.s32 @!p2 $0x0  }
0x16: {  	s3 =	sld [smem:$0x3FDB];
	s0 =	simm.s32 @p2 $0x1  }
0x17: {  	s4 =	simm.s32 $0x1BF5;
	[smem:$0x3FBA] =	sst s0  }
0x18: {  	s0 =	sld [smem:$0x3F9D];
	_ =	swait.ge [sflag:s4], $0x0  }
0x19: {  	s7 =	sld [smem:$0x3F9E]  }
0x1a: {  	s8 =	sadd.s32 $0xFFFFE003, lr  }
0x1b: {  	s9 =	sadd.s32 $0xFFFFFEF7, lr;
	s5 =	simm.s32 $0xFFFFFFFF;
	p2 =	slt.u32 s8, $0xFFFFF086  }
0x1c: {  	p1 =	slt.u32 s9, $0xF7A;
	s5 =	simm.s32 @!p2 $0x0  }
0x1d: {  	s5 =	simm.s32 @p1 $0x1;
	p0 =	seq.s32 s7, s2  }
0x1e: {  	s7 =	smul.u32 @!p0 $0xF7A, s2;
	p2 =	seq.s32 @!p0 s5, $0x0  }
0x1f: {  	s9 =	smul.u32 $0xF7A, s1;
	s8 =	simm.s32 @!p0 $0x1BF5;
	p2 =	por !p2, p0  }
0x20: {  	[sflag:s8] =	ssyncset.s32 @!p0 $0xFFFFF086;
	s6 =	sadd.s32 @!p0 s3, s7;
	s7 =	simm.s32 @!p0 $0x108  }
0x21: {  	s3 =	sadd.s32 s3, s9;
	s6 =	sadd.s32 @!p0 $0x88, s6;
	s7 =	simm.s32 @p2 $0x1082  }
0x22: {  	[simem:s7], [sflag:s8] =	dma.local @!p0 [hbm:s6], $0xF7A  }
0x23: {  	s9 =	sor.u32 $0xD0000000, s2;
	s6 =	simm.s32 $0x108;
	_ =	swait.ge @!p0 [sflag:s8], $0x0  }
0x24: {  	s3 =	sadd.s32 $0x88, s3;
	s6 =	simm.s32 @!p1 $0x1082;
	[sflag:s4] =	ssyncset.s32 $0xFFFFF086  }
0x25: {  	[simem:s6], [sflag:s4] =	dma.local [hbm:s3], $0xF7A  }
0x26: {  	[smem:$0x3F9E] =	sst s1;
	(tag) =	ssettag s2;
	_ =	strace s9  }
0x27: {  	s1 =	sld [smem:$0x3FAE]  }
0x28: {  	s2 =	sld [smem:$0x3FAF]  }
0x29: {  	s4 =	sld [smem:$0x3FB1]  }
0x2a: {  	p0 =	seq.s32 s5, $0x0;
	s5 =	sld [smem:$0x3FB2]  }
0x2b: {  	s6 =	sld [smem:$0x3FB3]  }
0x2c: {  	s7 =	sld [smem:$0x3FB4]  }
0x2d: {  	s3 =	simm.s32 $0x108;
	s8 =	sld [smem:$0x3FB5]  }
0x2e: {  	s3 =	simm.s32 @!p0 $0x1082;
	s9 =	sld [smem:$0x3FB6]  }
0x2f: {  	lr =	sadd.s32 s0, s3;
	s0 =	sld [smem:$0x3FAD]  }
0x30: {  	s3 =	sld [smem:$0x3FB0]  }
0x31: {  	[smem:$0x3FB9] =	sst s10  }
0x32: {  	s10 =	sld [smem:$0x3FB7];
	_ =	sdelay $0x3  }
0x33: {  	p0 =	seq.s32 s10, $0x1;
	s10 =	sld [smem:$0x3FB9];
	_ =	sdelay $0x3  }
0x34: {  	[smem:$0x3FB9] =	sst s10  }
0x35: {  	s10 =	sld [smem:$0x3FB8];
	_ =	sdelay $0x3  }
0x36: {  	p1 =	seq.s32 s10, $0x1;
	s10 =	sld [smem:$0x3FB9];
	_ =	sdelay $0x3  }
0x37: {  	[smem:$0x3FB9] =	sst s10  }
0x38: {  	s10 =	sld [smem:$0x3FBA]  }
0x39: {  	_ = 	snop;
	(pc) =	sbr.ind lr, $3  }
0x3a: {  	_ = 	snop  }
0x3b: {  	_ = 	snop  }
0x3c: {  	p2 =	seq.s32 s10, $0x1;
	s10 =	sld [smem:$0x3FB9]  }
0x3d: {  	_ =	shalt  }
0x3e: {  	_ =	shalt  }
0x3f: {  	_ =	shalt  }
0x40: {  	_ =	shalt  }
0x41: {  	_ =	shalt  }
0x42: {  	_ =	shalt  }
0x43: {  	_ =	shalt  }
0x44: {  	_ =	shalt  }
0x45: {  	_ =	shalt  }
0x46: {  	_ =	shalt  }
0x47: {  	_ =	shalt  }
0x48: {  	_ =	shalt  }
0x49: {  	_ =	shalt  }
0x4a: {  	_ =	shalt  }
0x4b: {  	_ =	shalt  }
0x4c: {  	_ =	shalt  }
0x4d: {  	_ =	shalt  }
0x4e: {  	_ =	shalt  }
0x4f: {  	_ =	shalt  }
0x50: {  	_ =	shalt  }
0x51: {  	_ =	shalt  }
0x52: {  	_ =	shalt  }
0x53: {  	_ =	shalt  }
0x54: {  	_ =	shalt  }
0x55: {  	_ =	shalt  }
0x56: {  	_ =	shalt  }
0x57: {  	_ =	shalt  }
0x58: {  	_ =	shalt  }
0x59: {  	_ =	shalt  }
0x5a: {  	_ =	shalt  }
0x5b: {  	_ =	shalt  }
0x5c: {  	_ =	shalt  }
0x5d: {  	_ =	shalt  }
0x5e: {  	_ =	shalt  }
0x5f: {  	_ =	shalt  }
0x60: {  	_ =	shalt  }
0x61: {  	_ =	shalt  }
0x62: {  	_ =	shalt  }
0x63: {  	_ =	shalt  }
0x64: {  	_ =	shalt  }
0x65: {  	_ =	shalt  }
0x66: {  	_ =	shalt  }
0x67: {  	_ =	shalt  }
0x68: {  	_ =	shalt  }
0x69: {  	_ =	shalt  }
0x6a: {  	_ =	shalt  }
0x6b: {  	_ =	shalt  }
0x6c: {  	_ =	shalt  }
0x6d: {  	_ =	shalt  }
0x6e: {  	_ =	shalt  }
0x6f: {  	_ =	shalt  }
0x70: {  	_ =	shalt  }
0x71: {  	_ =	shalt  }
0x72: {  	_ =	shalt  }
0x73: {  	_ =	shalt  }
0x74: {  	_ =	shalt  }
0x75: {  	_ =	shalt  }
0x76: {  	_ =	shalt  }
0x77: {  	_ =	shalt  }
0x78: {  	_ =	shalt  }
0x79: {  	_ =	shalt  }
0x7a: {  	_ =	shalt  }
0x7b: {  	_ =	shalt  }
0x7c: {  	_ =	shalt  }
0x7d: {  	_ =	shalt  }
0x7e: {  	_ =	shalt  }
0x7f: {  	_ =	shalt  }
0x80: {  	_ =	shalt  }
0x81: {  	_ =	shalt  }
0x82: {  	_ =	shalt  }
0x83: {  	_ =	shalt  }
0x84: {  	_ =	shalt  }
0x85: {  	_ =	shalt  }
0x86: {  	_ =	shalt  }
0x87: {  	_ =	shalt  }
.Lfunc_end0:
.L_simem_size_0:
called_computation_lowered:
.L_overlay_start_0:
0x88: {  	s0 =	sld [smem:$0x3FD9]  }
0x89: {  	s1 =	sld [smem:$0x3FFE];
	_ =	sdelay $0x3  }
0x8a: {  	s0 =	sadd.s32 s1, s0  }
0x8b: {  	[smem:$0x3FC5] =	sst s0  }
0x8c: {  	_ = 	snop  }
0x8d: {  	s0 =	sld [smem:$0x3FD0]  }
0x8e: {  	s14 =	sld [smem:$0x3FC9]  }
0x8f: {  	s2 =	sld [smem:$0x3FC8]  }
0x90: {  	s4 =	simm.s32 $0xA;
	s5 =	simm.s32 $0x10;
	s3 =	sld [smem:$0x3FC7]  }
0x91: {  	[smem:s5], [sflag:s4] =	dma.local [hbm:s0], $0x1  }
0x92: {  	_ =	swait.eq [sflag:s4], $0x1  }
0x93: {  	[sflag:s4] =	ssyncset.done $0x0  }
0x94: {  	s15 =	sld [smem:$0x10];
	[sflag:s4] =	ssyncadd.s32 $0xFFFFFFFF  }
0x95: {  	s16 =	sld [smem:$0x11];
	(tm) =	ssettm $0x1  }
0x96: {  	s17 =	sld [smem:$0x3FFB];
	_ =	sdelay $0x3  }
0x97: {  	_ =	strace s17  }
0x98: {  	s5 =	sld [smem:$0x3FFC];
	_ =	sdelay $0x3  }
0x99: {  	_ =	strace s5  }
0x9a: {  	s5 =	sld [smem:$0x3FFD];
	_ =	sdelay $0x3  }
0x9b: {  	_ =	strace s5  }
0x9c: {  	_ =	strace $0x8FFFFFFF  }
0x9d: {  	s18 =	sld [smem:$0x3FDB];
	_ =	sdelay $0x1  }
0x9e: {  	s6 =	simm.s32 $_scs_section_size  }
0x9f: {  	s7 =	simm.s32 $_size__tile_overlayer_lowered;
	s8 =	simm.s32 $_tile_overlayer_lowered  }
0xa0: {  	s21 =	simm.s32 $0x1BFF;
	s20 =	sshll.u32 s8, $0x1;
	s5 =	sadd.s32 s6, s18  }
0xa1: {  	s9 =	simm.s32 $0x0;
	s19 =	sshll.u32 s7, $0x1;
	s7 =	sadd.s32 s20, s5  }
0xa2: {  	[timem:s9], [sflag:s21] =	dma.local [hbm:s7], s19  }
0xa3: {  	_ =	swait.ge [sflag:s21], s19  }
0xa4: {  	s6 =	ssub.s32 $0x0, s19;
	[sflag:s21] =	ssyncset.done $0x0  }
0xa5: {  	[sflag:s21] =	ssyncadd.s32 s6;
	_ =	sdelay $0x1  }
0xa6: {  	s22 =	simm.s32 $0x1B8B  }
0xa7: {  	_ =	swait.ge [sflag:s22], $0x1  }
0xa8: {  	[sflag:s22] =	ssyncset.done $0x0  }
0xa9: {  	s23 =	simm.s32 $0x1B8E;
	[sflag:s22] =	ssyncadd.s32 $0xFFFFFFFF  }
0xaa: {  	s24 =	simm.s32 $execute0_lowered;
	[smem:$0x3FD2] =	sst s23  }
0xab: {  	s6 =	sshll.u32 s24, $0x1;
	_ =	strace $0x80000046;
	[dreg:$0x1] =	wrdreg $0xFFFFFFFF  }
0xac: {  	s25 =	simm.s32 $_size_execute0_lowered;
	s5 =	sadd.s32 s5, s6;
	[dreg:$0x0] =	wrdreg $0x0  }
0xad: {  	s6 =	sshll.u32 s25, $0x1;
	[dreg:$0x2] =	wrdreg s5  }
0xae: {  	[dreg:$0x3] =	wrdreg s6  }
0xaf: {  	[dreg:$0x4] =	wrdreg $0xC0  }
0xb0: {  	_ =	task [dreg:s9], $0x5FFFF  }
0xb1: {  	[dreg:$0x1] =	wrdreg $0xFFFFFFFF  }
0xb2: {  	[dreg:$0x0] =	wrdreg $0x60  }
0xb3: {  	[dreg:$0x2] =	wrdreg s14  }
0xb4: {  	[dreg:$0x3] =	wrdreg s2  }
0xb5: {  	[dreg:$0x4] =	wrdreg s3  }
0xb6: {  	[dreg:$0x5] =	wrdreg s15  }
0xb7: {  	[dreg:$0x6] =	wrdreg s16  }
0xb8: {  	[dreg:$0x7] =	wrdreg $0x9  }
0xb9: {  	_ =	task.clear_ibuf [dreg:s9], $0x8FFFF;
	_ =	strace $0x90000046  }
0xba: {  	s26 =	simm.s32 $0x9;
	_ =	strace $0x80000048  }
0xbb: {  	_ =	swait.ge [sflag:s26], $0x1  }
0xbc: {  	[sflag:s26] =	ssyncadd.s32 $0xFFFFFFFF  }
0xbd: {  	_ =	strace $0x90000048  }
0xbe: {  	_ =	sfence  }
0xbf: {  	s28 =	sld [smem:$0x0];
	_ =	sdelay $0x1  }
0xc0: {  	s29 =	srdreg.scid  }
0xc1: {  	s30 =	sshll.u32 s29, $0xD;
	s31 =	sshrl.u32 s29, $0x2  }
0xc2: {  	s1 =	sand.u32 $0x1, s29;
	s2 =	sand.u32 $0x4000, s30;
	s0 =	sadd.s32 s31, s28  }
0xc3: {  	s1 =	sor.u32 s2, s1;
	s0 =	sshll.u32 s0, $0x11  }
0xc4: {  	s0 =	sor.u32 s0, s1  }
0xc5: {  	s0 =	sadd.s32 $0x8F2B, s0  }
0xc6: {  	[sflag:s0] =	ssyncadd.remote.s32 $0x1  }
0xc7: {  	_ =	sfence.sel $0xFFFF  }
0xc8: {  	[dreg:$0x0] =	wrdreg $0xFFFFFFFF;
	(pc) =	sbr.abs _section_cstart, $3  }
0xc9: {  	[dreg:$0x1] =	wrdreg $0xFFFFFFFF  }
0xca: {  	_ =	task.clear_ibuf [dreg:s9], $0x2FFFF;
	_ =	strace $0x9FFFFFFF  }
0xcb: {  	(tm) =	ssettm $0x7FFFFFFF  }
tec
execute0_lowered:
.L_overlay_start_1:
0x0: {  	(tag) =	ssettag $0x1  }
0x1: {  	s9 =	rddreg [dreg:$0x0]  }
0x2: {  	s10 =	rddreg [dreg:$0x1]  }
0x3: {  	s7 =	rddreg [dreg:$0x2]  }
0x4: {  	s4 =	rddreg [dreg:$0x3]  }
0x5: {  	s2 =	rddreg [dreg:$0x4];
	s3 =	simm.s32 $0x0;
	s1 =	stileid.u32  }
0x6: {  	[smem:$0x7FF] =	sst s3;
	s5 =	sshll.u32 s1, $0x7  }
0x7: {  	s0 =	rddreg [dreg:$0x5];
	_ =	strace $0x80000047;
	s6 =	sadd.s32 s9, s5  }
0x8: {  	[tilespmem:s3], [sflag:$0x1] =	stream.linear.gather [hbm4b:s6+s3], $0x200, $0x38;
	[tilespmem:$0x1400] =	vst v63  }
0x9: {  	s15 =	simm.s32 $0x800  }
0xa: {  	[tilespmem:s15], [sflag:$0x3] =	stream.linear.gather [hbm4b:s7+s3], $0x400, $0x38;
	[tilespmem:$0x1400] =	vst v63  }
0xb: {  	s16 =	simm.s32 $0x400;
	s8 =	sor.u32 $0x40, s5  }
0xc: {  	[tilespmem:s16], [sflag:$0x3] =	stream.linear.gather [hbm4b:s10+s3], $0x400, $0x38;
	[tilespmem:$0x1400] =	vst v63  }
0xd: {  	s17 =	simm.s32 $0x200;
	s18 =	simm.s32 $0x1;
	s9 =	sadd.s32 s9, s8  }
0xe: {  	[tilespmem:s17], [sflag:$0x2] =	stream.linear.gather [hbm4b:s9+s3], $0x200, $0x38;
	[tilespmem:$0x1400] =	vst v63  }
0xf: {  	_ =	swait.ge [sflag:s18], $0x200  }
0x10: {  	[sflag:s18] =	ssyncset.done $0x0  }
0x11: {  	s19 =	simm.s32 $0x3;
	[sflag:s18] =	ssyncadd.s32 $0xFFFFFE00  }
0x12: {  	_ =	swait.ge [sflag:s19], $0x400  }
0x13: {  	[sflag:s19] =	ssyncset.done $0x0  }
0x14: {  	[sflag:s19] =	ssyncadd.s32 $0xFFFFFC00  }
0x15: {  	_ =	swait.ge [sflag:s19], $0x400  }
0x16: {  	[sflag:s19] =	ssyncset.done $0x0  }
0x17: {  	[sflag:s19] =	ssyncadd.s32 $0xFFFFFC00  }
0x18: {  	v0 =	vld [tilespmem:$0x0];
	_ =	sdelay $0x7  }
0x19: {  	v1 =	vld.idx.msk [tilespmem:v0+s15+$0x0], $0xffff;
	_ =	sdelay $0x3  }
0x1a: {  	v2 =	vld [tilespmem:$0x10]  }
0x1b: {  	[tilespmem:$0xC00] =	vst v1  }
0x1c: {  	v0 =	vld.idx.msk [tilespmem:v0+s16+$0x0], $0xffff;
	_ =	sdelay $0x4  }
0x1d: {  	[tilespmem:$0x1000] =	vst v0  }
0x1e: {  	v0 =	vld.idx.msk [tilespmem:v2+s15+$0x0], $0xffff;
	_ =	sdelay $0x3  }
0x1f: {  	v60 =	vld [tilespmem:$0x20]  }
0x20: {  	[tilespmem:$0xC10] =	vst v0  }
0x21: {  	v0 =	vld.idx.msk [tilespmem:v2+s16+$0x0], $0xffff;
	_ =	sdelay $0x4  }
0x22: {  	[tilespmem:$0x1010] =	vst v0  }
0x23: {  	v0 =	vld.idx.msk [tilespmem:v60+s15+$0x0], $0xffff;
	_ =	sdelay $0x3  }
0x24: {  	v61 =	vld [tilespmem:$0x30]  }
0x25: {  	[tilespmem:$0xC20] =	vst v0  }
0x26: {  	v0 =	vld.idx.msk [tilespmem:v60+s16+$0x0], $0xffff;
	_ =	sdelay $0x4  }
0x27: {  	[tilespmem:$0x1020] =	vst v0  }
0x28: {  	v0 =	vld.idx.msk [tilespmem:v61+s15+$0x0], $0xffff;
	_ =	sdelay $0x3  }
0x29: {  	v62 =	vld [tilespmem:$0x40]  }
0x2a: {  	[tilespmem:$0xC30] =	vst v0  }
0x2b: {  	v0 =	vld.idx.msk [tilespmem:v61+s16+$0x0], $0xffff;
	_ =	sdelay $0x4  }
0x2c: {  	[tilespmem:$0x1030] =	vst v0  }
0x2d: {  	v0 =	vld.idx.msk [tilespmem:v62+s15+$0x0], $0xffff;
	_ =	sdelay $0x3  }
0x2e: {  	v63 =	vld [tilespmem:$0x50]  }
0x2f: {  	[tilespmem:$0xC40] =	vst v0  }
0x30: {  	v0 =	vld.idx.msk [tilespmem:v62+s16+$0x0], $0xffff;
	_ =	sdelay $0x4  }
0x31: {  	[tilespmem:$0x1040] =	vst v0  }
0x32: {  	v0 =	vld.idx.msk [tilespmem:v63+s15+$0x0], $0xffff;
	_ =	sdelay $0x3  }
0x33: {  	v4 =	vld [tilespmem:$0x60]  }
0x34: {  	[tilespmem:$0xC50] =	vst v0  }
0x35: {  	v0 =	vld.idx.msk [tilespmem:v63+s16+$0x0], $0xffff;
	_ =	sdelay $0x4  }
0x36: {  	[tilespmem:$0x1050] =	vst v0  }
0x37: {  	v0 =	vld.idx.msk [tilespmem:v4+s15+$0x0], $0xffff;
	_ =	sdelay $0x3  }
0x38: {  	v5 =	vld [tilespmem:$0x70]  }
0x39: {  	[tilespmem:$0xC60] =	vst v0  }
0x3a: {  	v0 =	vld.idx.msk [tilespmem:v4+s16+$0x0], $0xffff;
	_ =	sdelay $0x4  }
0x3b: {  	[tilespmem:$0x1060] =	vst v0  }
0x3c: {  	v0 =	vld.idx.msk [tilespmem:v5+s15+$0x0], $0xffff;
	_ =	sdelay $0x3  }
0x3d: {  	v6 =	vld [tilespmem:$0x80]  }
0x3e: {  	[tilespmem:$0xC70] =	vst v0  }
0x3f: {  	v0 =	vld.idx.msk [tilespmem:v5+s16+$0x0], $0xffff;
	_ =	sdelay $0x4  }
0x40: {  	[tilespmem:$0x1070] =	vst v0  }
0x41: {  	v0 =	vld.idx.msk [tilespmem:v6+s15+$0x0], $0xffff;
	_ =	sdelay $0x3  }
0x42: {  	v7 =	vld [tilespmem:$0x90]  }
0x43: {  	[tilespmem:$0xC80] =	vst v0  }
0x44: {  	v0 =	vld.idx.msk [tilespmem:v6+s16+$0x0], $0xffff;
	_ =	sdelay $0x4  }
0x45: {  	[tilespmem:$0x1080] =	vst v0  }
0x46: {  	v0 =	vld.idx.msk [tilespmem:v7+s15+$0x0], $0xffff;
	_ =	sdelay $0x3  }
0x47: {  	v8 =	vld [tilespmem:$0xA0]  }
0x48: {  	[tilespmem:$0xC90] =	vst v0  }
0x49: {  	v0 =	vld.idx.msk [tilespmem:v7+s16+$0x0], $0xffff;
	_ =	sdelay $0x4  }
0x4a: {  	[tilespmem:$0x1090] =	vst v0  }
0x4b: {  	v0 =	vld.idx.msk [tilespmem:v8+s15+$0x0], $0xffff;
	_ =	sdelay $0x3  }
0x4c: {  	v9 =	vld [tilespmem:$0xB0]  }
0x4d: {  	[tilespmem:$0xCA0] =	vst v0  }
0x4e: {  	v0 =	vld.idx.msk [tilespmem:v8+s16+$0x0], $0xffff;
	_ =	sdelay $0x4  }
0x4f: {  	[tilespmem:$0x10A0] =	vst v0  }
0x50: {  	v0 =	vld.idx.msk [tilespmem:v9+s15+$0x0], $0xffff;
	_ =	sdelay $0x3  }
0x51: {  	v10 =	vld [tilespmem:$0xC0]  }
0x52: {  	[tilespmem:$0xCB0] =	vst v0  }
0x53: {  	v0 =	vld.idx.msk [tilespmem:v9+s16+$0x0], $0xffff;
	_ =	sdelay $0x4  }
0x54: {  	[tilespmem:$0x10B0] =	vst v0  }
0x55: {  	v0 =	vld.idx.msk [tilespmem:v10+s15+$0x0], $0xffff;
	_ =	sdelay $0x3  }
0x56: {  	v11 =	vld [tilespmem:$0xD0]  }
0x57: {  	[tilespmem:$0xCC0] =	vst v0  }
0x58: {  	v0 =	vld.idx.msk [tilespmem:v10+s16+$0x0], $0xffff;
	_ =	sdelay $0x4  }
0x59: {  	[tilespmem:$0x10C0] =	vst v0  }
0x5a: {  	v0 =	vld.idx.msk [tilespmem:v11+s15+$0x0], $0xffff;
	_ =	sdelay $0x3  }
0x5b: {  	v12 =	vld [tilespmem:$0xE0]  }
0x5c: {  	[tilespmem:$0xCD0] =	vst v0  }
0x5d: {  	v0 =	vld.idx.msk [tilespmem:v11+s16+$0x0], $0xffff;
	_ =	sdelay $0x4  }
0x5e: {  	[tilespmem:$0x10D0] =	vst v0  }
0x5f: {  	v0 =	vld.idx.msk [tilespmem:v12+s15+$0x0], $0xffff;
	_ =	sdelay $0x3  }
0x60: {  	v13 =	vld [tilespmem:$0xF0]  }
0x61: {  	[tilespmem:$0xCE0] =	vst v0  }
0x62: {  	v0 =	vld.idx.msk [tilespmem:v12+s16+$0x0], $0xffff;
	_ =	sdelay $0x4  }
0x63: {  	[tilespmem:$0x10E0] =	vst v0  }
0x64: {  	v0 =	vld.idx.msk [tilespmem:v13+s15+$0x0], $0xffff;
	_ =	sdelay $0x3  }
0x65: {  	v14 =	vld [tilespmem:$0x100]  }
0x66: {  	[tilespmem:$0xCF0] =	vst v0  }
0x67: {  	v0 =	vld.idx.msk [tilespmem:v13+s16+$0x0], $0xffff;
	_ =	sdelay $0x4  }
0x68: {  	[tilespmem:$0x10F0] =	vst v0  }
0x69: {  	v0 =	vld.idx.msk [tilespmem:v14+s15+$0x0], $0xffff;
	_ =	sdelay $0x3  }
0x6a: {  	v15 =	vld [tilespmem:$0x110]  }
0x6b: {  	[tilespmem:$0xD00] =	vst v0  }
0x6c: {  	v0 =	vld.idx.msk [tilespmem:v14+s16+$0x0], $0xffff;
	_ =	sdelay $0x4  }
0x6d: {  	[tilespmem:$0x1100] =	vst v0  }
0x6e: {  	v0 =	vld.idx.msk [tilespmem:v15+s15+$0x0], $0xffff;
	_ =	sdelay $0x3  }
0x6f: {  	v16 =	vld [tilespmem:$0x120]  }
0x70: {  	[tilespmem:$0xD10] =	vst v0  }
0x71: {  	v0 =	vld.idx.msk [tilespmem:v15+s16+$0x0], $0xffff;
	_ =	sdelay $0x4  }
0x72: {  	[tilespmem:$0x1110] =	vst v0  }
0x73: {  	v0 =	vld.idx.msk [tilespmem:v16+s15+$0x0], $0xffff;
	_ =	sdelay $0x3  }
0x74: {  	v17 =	vld [tilespmem:$0x130]  }
0x75: {  	[tilespmem:$0xD20] =	vst v0  }
0x76: {  	v0 =	vld.idx.msk [tilespmem:v16+s16+$0x0], $0xffff;
	_ =	sdelay $0x4  }
0x77: {  	[tilespmem:$0x1120] =	vst v0  }
0x78: {  	v0 =	vld.idx.msk [tilespmem:v17+s15+$0x0], $0xffff;
	_ =	sdelay $0x3  }
0x79: {  	v18 =	vld [tilespmem:$0x140]  }
0x7a: {  	[tilespmem:$0xD30] =	vst v0  }
0x7b: {  	v0 =	vld.idx.msk [tilespmem:v17+s16+$0x0], $0xffff;
	_ =	sdelay $0x4  }
0x7c: {  	[tilespmem:$0x1130] =	vst v0  }
0x7d: {  	v0 =	vld.idx.msk [tilespmem:v18+s15+$0x0], $0xffff;
	_ =	sdelay $0x3  }
0x7e: {  	v19 =	vld [tilespmem:$0x150]  }
0x7f: {  	[tilespmem:$0xD40] =	vst v0  }
0x80: {  	v0 =	vld.idx.msk [tilespmem:v18+s16+$0x0], $0xffff;
	_ =	sdelay $0x4  }
0x81: {  	[tilespmem:$0x1140] =	vst v0  }
0x82: {  	v0 =	vld.idx.msk [tilespmem:v19+s15+$0x0], $0xffff;
	_ =	sdelay $0x3  }
0x83: {  	v20 =	vld [tilespmem:$0x160]  }
0x84: {  	[tilespmem:$0xD50] =	vst v0  }
0x85: {  	v0 =	vld.idx.msk [tilespmem:v19+s16+$0x0], $0xffff;
	_ =	sdelay $0x4  }
0x86: {  	[tilespmem:$0x1150] =	vst v0  }
0x87: {  	v0 =	vld.idx.msk [tilespmem:v20+s15+$0x0], $0xffff;
	_ =	sdelay $0x3  }
0x88: {  	v21 =	vld [tilespmem:$0x170]  }
0x89: {  	[tilespmem:$0xD60] =	vst v0  }
0x8a: {  	v0 =	vld.idx.msk [tilespmem:v20+s16+$0x0], $0xffff;
	_ =	sdelay $0x4  }
0x8b: {  	[tilespmem:$0x1160] =	vst v0  }
0x8c: {  	v0 =	vld.idx.msk [tilespmem:v21+s15+$0x0], $0xffff;
	_ =	sdelay $0x3  }
0x8d: {  	v22 =	vld [tilespmem:$0x180]  }
0x8e: {  	[tilespmem:$0xD70] =	vst v0  }
0x8f: {  	v0 =	vld.idx.msk [tilespmem:v21+s16+$0x0], $0xffff;
	_ =	sdelay $0x4  }
0x90: {  	[tilespmem:$0x1170] =	vst v0  }
0x91: {  	v0 =	vld.idx.msk [tilespmem:v22+s15+$0x0], $0xffff;
	_ =	sdelay $0x3  }
0x92: {  	v23 =	vld [tilespmem:$0x190]  }
0x93: {  	[tilespmem:$0xD80] =	vst v0  }
0x94: {  	v0 =	vld.idx.msk [tilespmem:v22+s16+$0x0], $0xffff;
	_ =	sdelay $0x4  }
0x95: {  	[tilespmem:$0x1180] =	vst v0  }
0x96: {  	v0 =	vld.idx.msk [tilespmem:v23+s15+$0x0], $0xffff;
	_ =	sdelay $0x3  }
0x97: {  	v24 =	vld [tilespmem:$0x1A0]  }
0x98: {  	[tilespmem:$0xD90] =	vst v0  }
0x99: {  	v0 =	vld.idx.msk [tilespmem:v23+s16+$0x0], $0xffff;
	_ =	sdelay $0x4  }
0x9a: {  	[tilespmem:$0x1190] =	vst v0  }
0x9b: {  	v0 =	vld.idx.msk [tilespmem:v24+s15+$0x0], $0xffff;
	_ =	sdelay $0x3  }
0x9c: {  	v25 =	vld [tilespmem:$0x1B0]  }
0x9d: {  	[tilespmem:$0xDA0] =	vst v0  }
0x9e: {  	v0 =	vld.idx.msk [tilespmem:v24+s16+$0x0], $0xffff;
	_ =	sdelay $0x4  }
0x9f: {  	[tilespmem:$0x11A0] =	vst v0  }
0xa0: {  	v0 =	vld.idx.msk [tilespmem:v25+s15+$0x0], $0xffff;
	_ =	sdelay $0x3  }
0xa1: {  	v26 =	vld [tilespmem:$0x1C0]  }
0xa2: {  	[tilespmem:$0xDB0] =	vst v0  }
0xa3: {  	v0 =	vld.idx.msk [tilespmem:v25+s16+$0x0], $0xffff;
	_ =	sdelay $0x4  }
0xa4: {  	[tilespmem:$0x11B0] =	vst v0  }
0xa5: {  	v0 =	vld.idx.msk [tilespmem:v26+s15+$0x0], $0xffff;
	_ =	sdelay $0x3  }
0xa6: {  	v27 =	vld [tilespmem:$0x1D0]  }
0xa7: {  	[tilespmem:$0xDC0] =	vst v0  }
0xa8: {  	v0 =	vld.idx.msk [tilespmem:v26+s16+$0x0], $0xffff;
	_ =	sdelay $0x4  }
0xa9: {  	[tilespmem:$0x11C0] =	vst v0  }
0xaa: {  	v0 =	vld.idx.msk [tilespmem:v27+s15+$0x0], $0xffff;
	_ =	sdelay $0x3  }
0xab: {  	v28 =	vld [tilespmem:$0x1E0]  }
0xac: {  	[tilespmem:$0xDD0] =	vst v0  }
0xad: {  	v0 =	vld.idx.msk [tilespmem:v27+s16+$0x0], $0xffff;
	_ =	sdelay $0x4  }
0xae: {  	[tilespmem:$0x11D0] =	vst v0  }
0xaf: {  	v0 =	vld.idx.msk [tilespmem:v28+s15+$0x0], $0xffff;
	_ =	sdelay $0x3  }
0xb0: {  	v29 =	vld [tilespmem:$0x1F0]  }
0xb1: {  	[tilespmem:$0xDE0] =	vst v0  }
0xb2: {  	v0 =	vld.idx.msk [tilespmem:v28+s16+$0x0], $0xffff;
	_ =	sdelay $0x4  }
0xb3: {  	[tilespmem:$0x11E0] =	vst v0  }
0xb4: {  	v0 =	vld.idx.msk [tilespmem:v29+s15+$0x0], $0xffff;
	_ =	sdelay $0x4  }
0xb5: {  	[tilespmem:$0xDF0] =	vst v0  }
0xb6: {  	v0 =	vld.idx.msk [tilespmem:v29+s16+$0x0], $0xffff;
	_ =	sdelay $0x4  }
0xb7: {  	s21 =	simm.s32 $0xC00;
	s20 =	sadd.s32 s4, s5;
	[tilespmem:$0x11F0] =	vst v0  }
0xb8: {  	[hbm4b:s20+s3] =	stream.linear.scatter [tilespmem:s21], [sflag:$0x4], $0x200, $0x38;
	[tilespmem:$0x1400] =	vst v63  }
0xb9: {  	s23 =	simm.s32 $0x1000;
	s24 =	simm.s32 $0x2;
	s22 =	sadd.s32 s2, s5  }
0xba: {  	[hbm4b:s22+s3] =	stream.linear.scatter [tilespmem:s23], [sflag:$0x4], $0x200, $0x38;
	[tilespmem:$0x1400] =	vst v63  }
0xbb: {  	_ =	swait.ge [sflag:s24], $0x200  }
0xbc: {  	[sflag:s24] =	ssyncset.done $0x0  }
0xbd: {  	[sflag:s24] =	ssyncadd.s32 $0xFFFFFE00  }
0xbe: {  	v30 =	vld [tilespmem:$0x200];
	_ =	sdelay $0x7  }
0xbf: {  	v31 =	vld.idx.msk [tilespmem:v30+s15+$0x0], $0xffff;
	_ =	sdelay $0x3  }
0xc0: {  	v32 =	vld [tilespmem:$0x210]  }
0xc1: {  	[tilespmem:$0xE00] =	vst v31  }
0xc2: {  	v0 =	vld.idx.msk [tilespmem:v30+s16+$0x0], $0xffff;
	_ =	sdelay $0x4  }
0xc3: {  	[tilespmem:$0x1200] =	vst v0  }
0xc4: {  	v0 =	vld.idx.msk [tilespmem:v32+s15+$0x0], $0xffff;
	_ =	sdelay $0x3  }
0xc5: {  	v33 =	vld [tilespmem:$0x220]  }
0xc6: {  	[tilespmem:$0xE10] =	vst v0  }
0xc7: {  	v0 =	vld.idx.msk [tilespmem:v32+s16+$0x0], $0xffff;
	_ =	sdelay $0x4  }
0xc8: {  	[tilespmem:$0x1210] =	vst v0  }
0xc9: {  	v0 =	vld.idx.msk [tilespmem:v33+s15+$0x0], $0xffff;
	_ =	sdelay $0x3  }
0xca: {  	v34 =	vld [tilespmem:$0x230]  }
0xcb: {  	[tilespmem:$0xE20] =	vst v0  }
0xcc: {  	v0 =	vld.idx.msk [tilespmem:v33+s16+$0x0], $0xffff;
	_ =	sdelay $0x4  }
0xcd: {  	[tilespmem:$0x1220] =	vst v0  }
0xce: {  	v0 =	vld.idx.msk [tilespmem:v34+s15+$0x0], $0xffff;
	_ =	sdelay $0x3  }
0xcf: {  	v35 =	vld [tilespmem:$0x240]  }
0xd0: {  	[tilespmem:$0xE30] =	vst v0  }
0xd1: {  	v0 =	vld.idx.msk [tilespmem:v34+s16+$0x0], $0xffff;
	_ =	sdelay $0x4  }
0xd2: {  	[tilespmem:$0x1230] =	vst v0  }
0xd3: {  	v0 =	vld.idx.msk [tilespmem:v35+s15+$0x0], $0xffff;
	_ =	sdelay $0x3  }
0xd4: {  	v36 =	vld [tilespmem:$0x250]  }
0xd5: {  	[tilespmem:$0xE40] =	vst v0  }
0xd6: {  	v0 =	vld.idx.msk [tilespmem:v35+s16+$0x0], $0xffff;
	_ =	sdelay $0x4  }
0xd7: {  	[tilespmem:$0x1240] =	vst v0  }
0xd8: {  	v0 =	vld.idx.msk [tilespmem:v36+s15+$0x0], $0xffff;
	_ =	sdelay $0x3  }
0xd9: {  	v37 =	vld [tilespmem:$0x260]  }
0xda: {  	[tilespmem:$0xE50] =	vst v0  }
0xdb: {  	v0 =	vld.idx.msk [tilespmem:v36+s16+$0x0], $0xffff;
	_ =	sdelay $0x4  }
0xdc: {  	[tilespmem:$0x1250] =	vst v0  }
0xdd: {  	v0 =	vld.idx.msk [tilespmem:v37+s15+$0x0], $0xffff;
	_ =	sdelay $0x3  }
0xde: {  	v38 =	vld [tilespmem:$0x270]  }
0xdf: {  	[tilespmem:$0xE60] =	vst v0  }
0xe0: {  	v0 =	vld.idx.msk [tilespmem:v37+s16+$0x0], $0xffff;
	_ =	sdelay $0x4  }
0xe1: {  	[tilespmem:$0x1260] =	vst v0  }
0xe2: {  	v0 =	vld.idx.msk [tilespmem:v38+s15+$0x0], $0xffff;
	_ =	sdelay $0x3  }
0xe3: {  	v39 =	vld [tilespmem:$0x280]  }
0xe4: {  	[tilespmem:$0xE70] =	vst v0  }
0xe5: {  	v0 =	vld.idx.msk [tilespmem:v38+s16+$0x0], $0xffff;
	_ =	sdelay $0x4  }
0xe6: {  	[tilespmem:$0x1270] =	vst v0  }
0xe7: {  	v0 =	vld.idx.msk [tilespmem:v39+s15+$0x0], $0xffff;
	_ =	sdelay $0x3  }
0xe8: {  	v40 =	vld [tilespmem:$0x290]  }
0xe9: {  	[tilespmem:$0xE80] =	vst v0  }
0xea: {  	v0 =	vld.idx.msk [tilespmem:v39+s16+$0x0], $0xffff;
	_ =	sdelay $0x4  }
0xeb: {  	[tilespmem:$0x1280] =	vst v0  }
0xec: {  	v0 =	vld.idx.msk [tilespmem:v40+s15+$0x0], $0xffff;
	_ =	sdelay $0x3  }
0xed: {  	v41 =	vld [tilespmem:$0x2A0]  }
0xee: {  	[tilespmem:$0xE90] =	vst v0  }
0xef: {  	v0 =	vld.idx.msk [tilespmem:v40+s16+$0x0], $0xffff;
	_ =	sdelay $0x4  }
0xf0: {  	[tilespmem:$0x1290] =	vst v0  }
0xf1: {  	v0 =	vld.idx.msk [tilespmem:v41+s15+$0x0], $0xffff;
	_ =	sdelay $0x3  }
0xf2: {  	v42 =	vld [tilespmem:$0x2B0]  }
0xf3: {  	[tilespmem:$0xEA0] =	vst v0  }
0xf4: {  	v0 =	vld.idx.msk [tilespmem:v41+s16+$0x0], $0xffff;
	_ =	sdelay $0x4  }
0xf5: {  	[tilespmem:$0x12A0] =	vst v0  }
0xf6: {  	v0 =	vld.idx.msk [tilespmem:v42+s15+$0x0], $0xffff;
	_ =	sdelay $0x3  }
0xf7: {  	v43 =	vld [tilespmem:$0x2C0]  }
0xf8: {  	[tilespmem:$0xEB0] =	vst v0  }
0xf9: {  	v0 =	vld.idx.msk [tilespmem:v42+s16+$0x0], $0xffff;
	_ =	sdelay $0x4  }
0xfa: {  	[tilespmem:$0x12B0] =	vst v0  }
0xfb: {  	v0 =	vld.idx.msk [tilespmem:v43+s15+$0x0], $0xffff;
	_ =	sdelay $0x3  }
0xfc: {  	v44 =	vld [tilespmem:$0x2D0]  }
0xfd: {  	[tilespmem:$0xEC0] =	vst v0  }
0xfe: {  	v0 =	vld.idx.msk [tilespmem:v43+s16+$0x0], $0xffff;
	_ =	sdelay $0x4  }
0xff: {  	[tilespmem:$0x12C0] =	vst v0  }
0x100: {  	v0 =	vld.idx.msk [tilespmem:v44+s15+$0x0], $0xffff;
	_ =	sdelay $0x3  }
0x101: {  	v45 =	vld [tilespmem:$0x2E0]  }
0x102: {  	[tilespmem:$0xED0] =	vst v0  }
0x103: {  	v0 =	vld.idx.msk [tilespmem:v44+s16+$0x0], $0xffff;
	_ =	sdelay $0x4  }
0x104: {  	[tilespmem:$0x12D0] =	vst v0  }
0x105: {  	v0 =	vld.idx.msk [tilespmem:v45+s15+$0x0], $0xffff;
	_ =	sdelay $0x3  }
0x106: {  	v46 =	vld [tilespmem:$0x2F0]  }
0x107: {  	[tilespmem:$0xEE0] =	vst v0  }
0x108: {  	v0 =	vld.idx.msk [tilespmem:v45+s16+$0x0], $0xffff;
	_ =	sdelay $0x4  }
0x109: {  	[tilespmem:$0x12E0] =	vst v0  }
0x10a: {  	v0 =	vld.idx.msk [tilespmem:v46+s15+$0x0], $0xffff;
	_ =	sdelay $0x4  }
0x10b: {  	[tilespmem:$0xEF0] =	vst v0  }
0x10c: {  	v0 =	vld.idx.msk [tilespmem:v46+s16+$0x0], $0xffff;
	_ =	sdelay $0x4  }
0x10d: {  	s26 =	simm.s32 $0xE00;
	s25 =	sadd.s32 s4, s8;
	[tilespmem:$0x12F0] =	vst v0  }
0x10e: {  	[hbm4b:s25+s3] =	stream.linear.scatter [tilespmem:s26], [sflag:$0x4], $0x100, $0x38;
	[tilespmem:$0x1400] =	vst v63  }
0x10f: {  	s28 =	simm.s32 $0x1200;
	s8 =	sadd.s32 s2, s8  }
0x110: {  	[hbm4b:s8+s3] =	stream.linear.scatter [tilespmem:s28], [sflag:$0x4], $0x100, $0x38;
	[tilespmem:$0x1400] =	vst v63  }
0x111: {  	v47 =	vld [tilespmem:$0x300];
	_ =	sdelay $0x7  }
0x112: {  	v48 =	vld.idx.msk [tilespmem:v47+s15+$0x0], $0xffff;
	_ =	sdelay $0x3  }
0x113: {  	v49 =	vld [tilespmem:$0x310]  }
0x114: {  	[tilespmem:$0xF00] =	vst v48  }
0x115: {  	v0 =	vld.idx.msk [tilespmem:v47+s16+$0x0], $0xffff;
	_ =	sdelay $0x4  }
0x116: {  	[tilespmem:$0x1300] =	vst v0  }
0x117: {  	v0 =	vld.idx.msk [tilespmem:v49+s15+$0x0], $0xffff;
	_ =	sdelay $0x3  }
0x118: {  	v50 =	vld [tilespmem:$0x320]  }
0x119: {  	[tilespmem:$0xF10] =	vst v0  }
0x11a: {  	v0 =	vld.idx.msk [tilespmem:v49+s16+$0x0], $0xffff;
	_ =	sdelay $0x4  }
0x11b: {  	[tilespmem:$0x1310] =	vst v0  }
0x11c: {  	v0 =	vld.idx.msk [tilespmem:v50+s15+$0x0], $0xffff;
	_ =	sdelay $0x3  }
0x11d: {  	v51 =	vld [tilespmem:$0x330]  }
0x11e: {  	[tilespmem:$0xF20] =	vst v0  }
0x11f: {  	v0 =	vld.idx.msk [tilespmem:v50+s16+$0x0], $0xffff;
	_ =	sdelay $0x4  }
0x120: {  	[tilespmem:$0x1320] =	vst v0  }
0x121: {  	v0 =	vld.idx.msk [tilespmem:v51+s15+$0x0], $0xffff;
	_ =	sdelay $0x3  }
0x122: {  	v52 =	vld [tilespmem:$0x340]  }
0x123: {  	[tilespmem:$0xF30] =	vst v0  }
0x124: {  	v0 =	vld.idx.msk [tilespmem:v51+s16+$0x0], $0xffff;
	_ =	sdelay $0x4  }
0x125: {  	[tilespmem:$0x1330] =	vst v0  }
0x126: {  	v0 =	vld.idx.msk [tilespmem:v52+s15+$0x0], $0xffff;
	_ =	sdelay $0x3  }
0x127: {  	v53 =	vld [tilespmem:$0x350]  }
0x128: {  	[tilespmem:$0xF40] =	vst v0  }
0x129: {  	v0 =	vld.idx.msk [tilespmem:v52+s16+$0x0], $0xffff;
	_ =	sdelay $0x4  }
0x12a: {  	[tilespmem:$0x1340] =	vst v0  }
0x12b: {  	v0 =	vld.idx.msk [tilespmem:v53+s15+$0x0], $0xffff;
	_ =	sdelay $0x3  }
0x12c: {  	v54 =	vld [tilespmem:$0x360]  }
0x12d: {  	[tilespmem:$0xF50] =	vst v0  }
0x12e: {  	v0 =	vld.idx.msk [tilespmem:v53+s16+$0x0], $0xffff;
	_ =	sdelay $0x4  }
0x12f: {  	[tilespmem:$0x1350] =	vst v0  }
0x130: {  	v0 =	vld.idx.msk [tilespmem:v54+s15+$0x0], $0xffff;
	_ =	sdelay $0x3  }
0x131: {  	v55 =	vld [tilespmem:$0x370]  }
0x132: {  	[tilespmem:$0xF60] =	vst v0  }
0x133: {  	v0 =	vld.idx.msk [tilespmem:v54+s16+$0x0], $0xffff;
	_ =	sdelay $0x4  }
0x134: {  	[tilespmem:$0x1360] =	vst v0  }
0x135: {  	v0 =	vld.idx.msk [tilespmem:v55+s15+$0x0], $0xffff;
	_ =	sdelay $0x3  }
0x136: {  	v56 =	vld [tilespmem:$0x380]  }
0x137: {  	[tilespmem:$0xF70] =	vst v0  }
0x138: {  	v0 =	vld.idx.msk [tilespmem:v55+s16+$0x0], $0xffff;
	_ =	sdelay $0x4  }
0x139: {  	[tilespmem:$0x1370] =	vst v0  }
0x13a: {  	v0 =	vld.idx.msk [tilespmem:v56+s15+$0x0], $0xffff;
	_ =	sdelay $0x3  }
0x13b: {  	v57 =	vld [tilespmem:$0x390]  }
0x13c: {  	[tilespmem:$0xF80] =	vst v0  }
0x13d: {  	v0 =	vld.idx.msk [tilespmem:v56+s16+$0x0], $0xffff;
	_ =	sdelay $0x4  }
0x13e: {  	[tilespmem:$0x1380] =	vst v0  }
0x13f: {  	v0 =	vld.idx.msk [tilespmem:v57+s15+$0x0], $0xffff;
	_ =	sdelay $0x3  }
0x140: {  	v58 =	vld [tilespmem:$0x3A0]  }
0x141: {  	[tilespmem:$0xF90] =	vst v0  }
0x142: {  	v0 =	vld.idx.msk [tilespmem:v57+s16+$0x0], $0xffff;
	_ =	sdelay $0x4  }
0x143: {  	[tilespmem:$0x1390] =	vst v0  }
0x144: {  	v0 =	vld.idx.msk [tilespmem:v58+s15+$0x0], $0xffff;
	_ =	sdelay $0x3  }
0x145: {  	v59 =	vld [tilespmem:$0x3B0]  }
0x146: {  	[tilespmem:$0xFA0] =	vst v0  }
0x147: {  	v0 =	vld.idx.msk [tilespmem:v58+s16+$0x0], $0xffff;
	_ =	sdelay $0x4  }
0x148: {  	[tilespmem:$0x13A0] =	vst v0  }
0x149: {  	v0 =	vld.idx.msk [tilespmem:v59+s15+$0x0], $0xffff;
	_ =	sdelay $0x3  }
0x14a: {  	v60 =	vld [tilespmem:$0x3C0]  }
0x14b: {  	[tilespmem:$0xFB0] =	vst v0  }
0x14c: {  	v0 =	vld.idx.msk [tilespmem:v59+s16+$0x0], $0xffff;
	_ =	sdelay $0x4  }
0x14d: {  	[tilespmem:$0x13B0] =	vst v0  }
0x14e: {  	v0 =	vld.idx.msk [tilespmem:v60+s15+$0x0], $0xffff;
	_ =	sdelay $0x3  }
0x14f: {  	v61 =	vld [tilespmem:$0x3D0]  }
0x150: {  	[tilespmem:$0xFC0] =	vst v0  }
0x151: {  	v0 =	vld.idx.msk [tilespmem:v60+s16+$0x0], $0xffff;
	_ =	sdelay $0x4  }
0x152: {  	[tilespmem:$0x13C0] =	vst v0  }
0x153: {  	v0 =	vld.idx.msk [tilespmem:v61+s15+$0x0], $0xffff;
	_ =	sdelay $0x3  }
0x154: {  	v62 =	vld [tilespmem:$0x3E0]  }
0x155: {  	[tilespmem:$0xFD0] =	vst v0  }
0x156: {  	v0 =	vld.idx.msk [tilespmem:v61+s16+$0x0], $0xffff;
	_ =	sdelay $0x4  }
0x157: {  	[tilespmem:$0x13D0] =	vst v0  }
0x158: {  	v0 =	vld.idx.msk [tilespmem:v62+s15+$0x0], $0xffff;
	_ =	sdelay $0x3  }
0x159: {  	v63 =	vld [tilespmem:$0x3F0]  }
0x15a: {  	[tilespmem:$0xFE0] =	vst v0  }
0x15b: {  	v0 =	vld.idx.msk [tilespmem:v62+s16+$0x0], $0xffff;
	_ =	sdelay $0x4  }
0x15c: {  	[tilespmem:$0x13E0] =	vst v0  }
0x15d: {  	v0 =	vld.idx.msk [tilespmem:v63+s15+$0x0], $0xffff;
	_ =	sdelay $0x4  }
0x15e: {  	[tilespmem:$0xFF0] =	vst v0  }
0x15f: {  	v0 =	vld.idx.msk [tilespmem:v63+s16+$0x0], $0xffff;
	_ =	sdelay $0x3  }
0x160: {  	s5 =	sor.u32 $0x60, s5  }
0x161: {  	s29 =	simm.s32 $0xF00;
	s4 =	sadd.s32 s4, s5;
	[tilespmem:$0x13F0] =	vst v0  }
0x162: {  	[hbm4b:s4+s3] =	stream.linear.scatter [tilespmem:s29], [sflag:$0x4], $0x100, $0x38;
	[tilespmem:$0x1400] =	vst v63  }
0x163: {  	s30 =	simm.s32 $0x1300;
	s31 =	simm.s32 $0x4;
	s2 =	sadd.s32 s2, s5  }
0x164: {  	[hbm4b:s2+s3] =	stream.linear.scatter [tilespmem:s30], [sflag:$0x4], $0x100, $0x38;
	[tilespmem:$0x1400] =	vst v63  }
0x165: {  	_ =	swait.ge [sflag:s31], $0x200  }
0x166: {  	[sflag:s31] =	ssyncset.done $0x0  }
0x167: {  	[sflag:s31] =	ssyncadd.s32 $0xFFFFFE00  }
0x168: {  	_ =	swait.ge [sflag:s31], $0x200  }
0x169: {  	[sflag:s31] =	ssyncset.done $0x0  }
0x16a: {  	[sflag:s31] =	ssyncadd.s32 $0xFFFFFE00  }
0x16b: {  	_ =	swait.ge [sflag:s31], $0x100  }
0x16c: {  	[sflag:s31] =	ssyncset.done $0x0  }
0x16d: {  	[sflag:s31] =	ssyncadd.s32 $0xFFFFFF00  }
0x16e: {  	_ =	swait.ge [sflag:s31], $0x100  }
0x16f: {  	[sflag:s31] =	ssyncset.done $0x0  }
0x170: {  	[sflag:s31] =	ssyncadd.s32 $0xFFFFFF00  }
0x171: {  	_ =	swait.ge [sflag:s31], $0x100  }
0x172: {  	[sflag:s31] =	ssyncset.done $0x0  }
0x173: {  	[sflag:s31] =	ssyncadd.s32 $0xFFFFFF00  }
0x174: {  	_ =	swait.ge [sflag:s31], $0x100  }
0x175: {  	[sflag:s31] =	ssyncset.done $0x0  }
0x176: {  	[sflag:s31] =	ssyncadd.s32 $0xFFFFFF00  }
0x177: {  	_ =	sfence.sel $0x180000  }
0x178: {  	[bflag:$0x0] =	sbarrier.arrive $0xFFFF  }
0x179: {  	p0 =	sne.s32 s1, $0x0;
	_ =	strace $0x90000047  }
0x17a: {  	s0 =	sadd.s32 @!p0 $0x100000, s0;
	[bflag:$0x2] =	sbarrier.arrive $0xFFFF  }
0x17b: {  	[sflag:s0] =	ssyncadd.tile.s32 @!p0 $0x1;
	_ =	shalt  }
.Lfunc_end2:
_tile_overlayer_lowered:
.L_overlay_start_2:
0x17c: {  	(tag) =	ssettag $0x2  }
0x17d: {  	s0 =	rddreg [dreg:$0x0];
	s2 =	stileid.u32  }
0x17e: {  	s1 =	rddreg [dreg:$0x1];
	p0 =	sne.s32 s2, $0x0  }
0x17f: {  	s3 =	rddreg [dreg:$0x2];
	[bflag:$0x3] =	sbarrier.arrive $0xFFFF;
	s2 =	simm.s32 @!p0 $0x1C05  }
0x180: {  	[timem:s3], [sflag:s2] =	dma.local @!p0 [hbm:s0], s1  }
0x181: {  	s0 =	simm.s32 @!p0 $0x5  }
0x182: {  	_ =	swait.ge @!p0 [sflag:s0], s1  }
0x183: {  	s1 =	ssub.s32 @!p0 $0x0, s1;
	[sflag:s0] =	ssyncset.done @!p0 $0x0  }
0x184: {  	[sflag:s0] =	ssyncadd.s32 @!p0 s1  }
0x185: {  	[bflag:$0x3] =	sbarrier.arrive $0xFFFF  }
0x186: {  	_ =	shalt  }

</sc_bundles>
